<compile_context>
chip_gen: v7x
topology: tpu7x:2x2x1
jax: 0.10.2.dev20260603
libtpu: 0.0.44.dev20260713+nightly
codegen_flags: <defaults>
</compile_context>

<pallas_src>
import jax
import jax.numpy as jnp
from jax import lax
from jax.experimental import pallas as pl
from jax.experimental.pallas import tpu as pltpu
from jax.experimental.pallas import tpu_sc as plsc

_NUM_WORKERS = 32
_CHUNK = 128
_NBUF = 4
_LAG = 2
_VL = 16


def kernel(x, table):
    batch, seq = x.shape
    _, emb = table.shape
    n = batch * seq

    rows_per_worker = batch // _NUM_WORKERS
    per_worker = rows_per_worker * seq
    num_chunks = per_worker // _CHUNK
    num_groups = num_chunks // _NBUF
    mesh = plsc.VectorSubcoreMesh(core_axis_name="c", subcore_axis_name="s")

    @pl.kernel(
        out_type=jax.ShapeDtypeStruct((n, emb), table.dtype),
        mesh=mesh,
        compiler_params=pltpu.CompilerParams(
            use_tc_tiling_on_sc=False, needs_layout_passes=False
        ),
        scratch_types=[
            pltpu.VMEM((rows_per_worker, seq), jnp.int32),
            pltpu.VMEM((per_worker,), jnp.int32),
            [pltpu.VMEM((_CHUNK, emb), table.dtype) for _ in range(_NBUF)],
            [pltpu.SemaphoreType.DMA for _ in range(_NBUF)],
            [pltpu.SemaphoreType.DMA for _ in range(_NBUF)],
        ],
    )
    def gather_kernel(table_hbm, x_hbm, out_hbm, slab, idx_flat, rows,
                      gsem, wsem):
        wid = lax.axis_index("s") * 2 + lax.axis_index("c")
        rbase = wid * rows_per_worker
        base = wid * per_worker
        lane = lax.iota(jnp.int32, _VL)
        pltpu.sync_copy(x_hbm.at[pl.ds(rbase, rows_per_worker)], slab)

        nfull = seq // _VL
        ntail = seq - nfull * _VL
        tail_col = jnp.where(lane < ntail, nfull * _VL + lane, 0)
        tail_mask = lane < ntail

        @pl.loop(0, rows_per_worker)
        def _(r):
            dbase = r * seq
            for k in range(nfull):
                v = slab[r, pl.ds(k * _VL, _VL)]
                plsc.store_scatter(idx_flat, [dbase + k * _VL + lane], v)
            if ntail:
                v = plsc.load_gather(
                    slab, [jnp.full((_VL,), r, jnp.int32), tail_col],
                    mask=tail_mask,
                )
                plsc.store_scatter(
                    idx_flat, [dbase + nfull * _VL + lane], v,
                    mask=tail_mask,
                )

        def start_gather(c, b):
            pltpu.async_copy(
                table_hbm.at[idx_flat.at[pl.ds(c * _CHUNK, _CHUNK)]],
                rows[b], gsem[b],
            )

        def wait_gather(c, b):
            pltpu.make_async_copy(
                table_hbm.at[idx_flat.at[pl.ds(c * _CHUNK, _CHUNK)]],
                rows[b], gsem[b],
            ).wait()

        def start_wb(c, b):
            pltpu.async_copy(
                rows[b], out_hbm.at[pl.ds(base + c * _CHUNK, _CHUNK)], wsem[b]
            )

        def wait_wb(c, b):
            pltpu.make_async_copy(
                rows[b], out_hbm.at[pl.ds(base + c * _CHUNK, _CHUNK)], wsem[b]
            ).wait()

        for i in range(_NBUF):
            start_gather(i, i)
            if i >= _LAG:
                d = i - _LAG
                wait_gather(d, d % _NBUF)
                start_wb(d, d % _NBUF)

        @pl.loop(1, num_groups)
        def _(k):
            c0 = k * _NBUF
            for i in range(_NBUF):
                c = c0 + i
                wait_wb(c - _NBUF, i)
                start_gather(c, i)
                d = c - _LAG
                bd = (i + _NBUF - _LAG) % _NBUF
                wait_gather(d, bd)
                start_wb(d, bd)

        for d in range(num_chunks - _LAG, num_chunks):
            wait_gather(d, d % _NBUF)
            start_wb(d, d % _NBUF)
        for b in range(_NBUF):
            wait_wb(num_chunks - _NBUF + b, b)

    out = gather_kernel(table, x)
    return out.reshape(batch, seq, emb)

# --- scband reference (transcript-rebuilt; emitter-appended) ---
"""Pipeline reference for scband-input-embedding-61572651155636 (READ-ONLY COPY).

The authoritative reference and input builder live on the scoring server;
editing this copy changes nothing except your own understanding.
"""

import jax, jax.numpy as jnp
import numpy as np

VOCAB = 1000000
EMB = 64

def setup_inputs(seed: int = 0) -> dict:
    key = jax.random.key(seed)
    k1, k2 = jax.random.split(key)
    x = jax.random.randint(k1, (16384, 50), 0, VOCAB, dtype=jnp.int64 if jax.config.jax_enable_x64 else jnp.int32)
    table = jax.random.normal(k2, (VOCAB, EMB), dtype=jnp.float32)
    # nn.Embedding with padding_idx=0 initializes row 0 to zeros
    table = table.at[0].set(0.0)
    return {"x": x, "table": table}

def reference(x, table):
    # Faithful to nn.Embedding(vocab, dim, padding_idx=0): row 0 is the padding row (zeros)
    out = jnp.take(table, x, axis=0)
    return out

if __name__ == "__main__":
    import jax
    _d = setup_inputs()
    print(jax.jit(kernel)(*tuple(_d.values())))

</pallas_src>

<mosaic_0001>
#map = affine_map<(d0, d1) -> (0, 0)>
module attributes {stable_mosaic.version = 14 : i64} {
  func.func @gather_kernel(%arg0: i32, %arg1: i32, %arg2: memref<1000000x64xf32, #tpu.memory_space<hbm>>, %arg3: memref<16384x50xi32, #tpu.memory_space<hbm>>, %arg4: memref<819200x64xf32, #tpu.memory_space<hbm>>, %arg5: memref<512x50xi32, #tpu.memory_space<vmem>>, %arg6: memref<25600xi32, #tpu.memory_space<vmem>>, %arg7: memref<128x64xf32, #tpu.memory_space<vmem>>, %arg8: memref<128x64xf32, #tpu.memory_space<vmem>>, %arg9: memref<128x64xf32, #tpu.memory_space<vmem>>, %arg10: memref<128x64xf32, #tpu.memory_space<vmem>>, %arg11: memref<!tpu.dma_semaphore, #tpu.memory_space<semaphore_mem>>, %arg12: memref<!tpu.dma_semaphore, #tpu.memory_space<semaphore_mem>>, %arg13: memref<!tpu.dma_semaphore, #tpu.memory_space<semaphore_mem>>, %arg14: memref<!tpu.dma_semaphore, #tpu.memory_space<semaphore_mem>>, %arg15: memref<!tpu.dma_semaphore, #tpu.memory_space<semaphore_mem>>, %arg16: memref<!tpu.dma_semaphore, #tpu.memory_space<semaphore_mem>>, %arg17: memref<!tpu.dma_semaphore, #tpu.memory_space<semaphore_mem>>, %arg18: memref<!tpu.dma_semaphore, #tpu.memory_space<semaphore_mem>>) attributes {dimension_semantics = [#tpu.dimension_semantics<core_parallel>, #tpu.dimension_semantics<subcore_parallel>], iteration_bounds = array<i64: 2, 16>, scalar_prefetch = 0 : i64, scratch_operands = 14 : i64, tpu.core_type = #tpu.core_type<sc_vector_subcore>, window_params = [{transform_indices = #map}, {transform_indices = #map}, {transform_indices = #map}]} {
    %mul3A = arith.constant 2 : i32
    %mul3A_0 = arith.muli %arg1, %mul3A : i32
    %add3A = arith.addi %mul3A_0, %arg0 : i32
    %mul3A_1 = arith.constant 512 : i32
    %mul3A_2 = arith.muli %add3A, %mul3A_1 : i32
    %mul3A_3 = arith.constant 25600 : i32
    %mul3A_4 = arith.muli %add3A, %mul3A_3 : i32
    %iota3A = tpu.iota {dimensions = array<i32: 0>} : vector<16xi32>
    "tpu.region"() ({
      %run_scoped3A = tpu.sem_alloc : memref<!tpu.dma_semaphore, #tpu.memory_space<semaphore_mem>>
      %dma_start3A_108 = arith.constant 0 : i32
      %dma_start3A_109 = tpu.memref_slice %arg3[%mul3A_2, %dma_start3A_108] : memref<16384x50xi32, #tpu.memory_space<hbm>> -> memref<512x50xi32, #tpu.memory_space<hbm>>
      %dma_start3A_110 = arith.constant 0 : i32
      %dma_start3A_111 = tpu.memref_slice %arg3[%mul3A_2, %dma_start3A_110] : memref<16384x50xi32, #tpu.memory_space<hbm>> -> memref<512x50xi32, #tpu.memory_space<hbm>>
      tpu.enqueue_dma source(%dma_start3A_111 : memref<512x50xi32, #tpu.memory_space<hbm>>) target(%arg5 : memref<512x50xi32, #tpu.memory_space<vmem>>) target_semaphore(%run_scoped3A : memref<!tpu.dma_semaphore, #tpu.memory_space<semaphore_mem>>)
      %dma_wait3A_112 = arith.constant 0 : i32
      %dma_wait3A_113 = tpu.memref_slice %arg3[%mul3A_2, %dma_wait3A_112] : memref<16384x50xi32, #tpu.memory_space<hbm>> -> memref<512x50xi32, #tpu.memory_space<hbm>>
      %dma_wait3A_114 = arith.constant 0 : i32
      %dma_wait3A_115 = tpu.memref_slice %arg3[%mul3A_2, %dma_wait3A_114] : memref<16384x50xi32, #tpu.memory_space<hbm>> -> memref<512x50xi32, #tpu.memory_space<hbm>>
      tpu.wait_dma2 semaphore(%run_scoped3A : memref<!tpu.dma_semaphore, #tpu.memory_space<semaphore_mem>>) src(%dma_wait3A_115 : memref<512x50xi32, #tpu.memory_space<hbm>>) dst(%arg5 : memref<512x50xi32, #tpu.memory_space<vmem>>)
      tpu.yield
    }) : () -> ()
    %lt3A = arith.constant 2 : i32
    %lt3A_5 = vector.broadcast %lt3A : i32 to vector<16xi32>
    %lt3A_6 = arith.cmpi slt, %iota3A, %lt3A_5 : vector<16xi32>
    %add3A_7 = arith.constant 48 : i32
    %add3A_8 = vector.broadcast %add3A_7 : i32 to vector<16xi32>
    %add3A_9 = arith.addi %add3A_8, %iota3A : vector<16xi32>
    %jit3A = arith.constant 0 : i32
    %broadcast_in_dim3A = vector.broadcast %jit3A : i32 to vector<16xi32>
    %select_n3A = arith.select %lt3A_6, %add3A_9, %broadcast_in_dim3A : vector<16xi1>, vector<16xi32>
    %lt3A_10 = arith.constant 2 : i32
    %lt3A_11 = vector.broadcast %lt3A_10 : i32 to vector<16xi32>
    %lt3A_12 = arith.cmpi slt, %iota3A, %lt3A_11 : vector<16xi32>
    %scan3A = arith.constant 0 : i32
    %scan3A_13 = arith.constant 512 : i32
    %scan3A_14 = arith.addi %scan3A, %scan3A_13 : i32
    %scan3A_15 = arith.constant 1 : i32
    scf.for %scan3A_108 = %scan3A to %scan3A_14 step %scan3A_15  : i32 {
      %mul3A_109 = arith.constant 1 : i32
      %mul3A_110 = arith.muli %scan3A_108, %mul3A_109 : i32
      %add3A_111 = arith.constant 0 : i32
      %add3A_112 = arith.addi %add3A_111, %mul3A_110 : i32
      %mul3A_113 = arith.constant 50 : i32
      %mul3A_114 = arith.muli %add3A_112, %mul3A_113 : i32
      %get3A = arith.index_cast %add3A_112 : i32 to index
      %get3A_115 = arith.constant 0 : index
      %get3A_116 = tpu.vector_load %arg5[%get3A, %get3A_115] {strides = array<i32>} : memref<512x50xi32, #tpu.memory_space<vmem>>, vector<16xi32>,
      %add3A_117 = arith.constant 0 : i32
      %add3A_118 = arith.addi %mul3A_114, %add3A_117 : i32
      %add3A_119 = vector.broadcast %add3A_118 : i32 to vector<16xi32>
      %add3A_120 = arith.addi %add3A_119, %iota3A : vector<16xi32>
      tpu.vector_store_idx %arg6[%add3A_120], %get3A_116 : memref<25600xi32, #tpu.memory_space<vmem>>[vector<16xi32>], vector<16xi32>,
      %get3A_121 = arith.index_cast %add3A_112 : i32 to index
      %get3A_122 = arith.constant 16 : index
      %get3A_123 = tpu.vector_load %arg5[%get3A_121, %get3A_122] {strides = array<i32>} : memref<512x50xi32, #tpu.memory_space<vmem>>, vector<16xi32>,
      %add3A_124 = arith.constant 16 : i32
      %add3A_125 = arith.addi %mul3A_114, %add3A_124 : i32
      %add3A_126 = vector.broadcast %add3A_125 : i32 to vector<16xi32>
      %add3A_127 = arith.addi %add3A_126, %iota3A : vector<16xi32>
      tpu.vector_store_idx %arg6[%add3A_127], %get3A_123 : memref<25600xi32, #tpu.memory_space<vmem>>[vector<16xi32>], vector<16xi32>,
      %get3A_128 = arith.index_cast %add3A_112 : i32 to index
      %get3A_129 = arith.constant 32 : index
      %get3A_130 = tpu.vector_load %arg5[%get3A_128, %get3A_129] {strides = array<i32>} : memref<512x50xi32, #tpu.memory_space<vmem>>, vector<16xi32>,
      %add3A_131 = arith.constant 32 : i32
      %add3A_132 = arith.addi %mul3A_114, %add3A_131 : i32
      %add3A_133 = vector.broadcast %add3A_132 : i32 to vector<16xi32>
      %add3A_134 = arith.addi %add3A_133, %iota3A : vector<16xi32>
      tpu.vector_store_idx %arg6[%add3A_134], %get3A_130 : memref<25600xi32, #tpu.memory_space<vmem>>[vector<16xi32>], vector<16xi32>,
      %broadcast_in_dim3A_135 = vector.broadcast %add3A_112 : i32 to vector<16xi32>
      %gather3A = tpu.vector_load_idx %arg5[%broadcast_in_dim3A_135, %select_n3A] masked %lt3A_12 : memref<512x50xi32, #tpu.memory_space<vmem>>[vector<16xi32>, vector<16xi32>], vector<16xi32>, vector<16xi1>
      %add3A_136 = arith.constant 48 : i32
      %add3A_137 = arith.addi %mul3A_114, %add3A_136 : i32
      %add3A_138 = vector.broadcast %add3A_137 : i32 to vector<16xi32>
      %add3A_139 = arith.addi %add3A_138, %iota3A : vector<16xi32>
      tpu.vector_store_idx %arg6[%add3A_139], %gather3A masked %lt3A_12 : memref<25600xi32, #tpu.memory_space<vmem>>[vector<16xi32>], vector<16xi32>, vector<16xi1>
    }
    %scan3A_16 = arith.constant 512 : i32
    %dma_start3A = arith.constant 0 : i32
    %dma_start3A_17 = tpu.memref_slice %arg6[%dma_start3A] : memref<25600xi32, #tpu.memory_space<vmem>> -> memref<128xi32, #tpu.memory_space<vmem>>
    %dma_start3A_18 = arith.constant 0 : i32
    %dma_start3A_19 = arith.constant 0 : i32
    %dma_start3A_20 = tpu.memref_slice %arg2[%dma_start3A_18, %dma_start3A_19] : memref<1000000x64xf32, #tpu.memory_space<hbm>> -> memref<1000000x64xf32, #tpu.memory_space<hbm>>
    tpu.enqueue_indirect_dma source(%dma_start3A_20 : memref<1000000x64xf32, #tpu.memory_space<hbm>>) target(%arg7 : memref<128x64xf32, #tpu.memory_space<vmem>>) offsets(%dma_start3A_17 : memref<128xi32, #tpu.memory_space<vmem>>) semaphore(%arg11 : memref<!tpu.dma_semaphore, #tpu.memory_space<semaphore_mem>>)
    %dma_start3A_21 = arith.constant 128 : i32
    %dma_start3A_22 = tpu.memref_slice %arg6[%dma_start3A_21] : memref<25600xi32, #tpu.memory_space<vmem>> -> memref<128xi32, #tpu.memory_space<vmem>>
    %dma_start3A_23 = arith.constant 0 : i32
    %dma_start3A_24 = arith.constant 0 : i32
    %dma_start3A_25 = tpu.memref_slice %arg2[%dma_start3A_23, %dma_start3A_24] : memref<1000000x64xf32, #tpu.memory_space<hbm>> -> memref<1000000x64xf32, #tpu.memory_space<hbm>>
    tpu.enqueue_indirect_dma source(%dma_start3A_25 : memref<1000000x64xf32, #tpu.memory_space<hbm>>) target(%arg8 : memref<128x64xf32, #tpu.memory_space<vmem>>) offsets(%dma_start3A_22 : memref<128xi32, #tpu.memory_space<vmem>>) semaphore(%arg12 : memref<!tpu.dma_semaphore, #tpu.memory_space<semaphore_mem>>)
    %dma_start3A_26 = arith.constant 256 : i32
    %dma_start3A_27 = tpu.memref_slice %arg6[%dma_start3A_26] : memref<25600xi32, #tpu.memory_space<vmem>> -> memref<128xi32, #tpu.memory_space<vmem>>
    %dma_start3A_28 = arith.constant 0 : i32
    %dma_start3A_29 = arith.constant 0 : i32
    %dma_start3A_30 = tpu.memref_slice %arg2[%dma_start3A_28, %dma_start3A_29] : memref<1000000x64xf32, #tpu.memory_space<hbm>> -> memref<1000000x64xf32, #tpu.memory_space<hbm>>
    tpu.enqueue_indirect_dma source(%dma_start3A_30 : memref<1000000x64xf32, #tpu.memory_space<hbm>>) target(%arg9 : memref<128x64xf32, #tpu.memory_space<vmem>>) offsets(%dma_start3A_27 : memref<128xi32, #tpu.memory_space<vmem>>) semaphore(%arg13 : memref<!tpu.dma_semaphore, #tpu.memory_space<semaphore_mem>>)
    %dma_wait3A = arith.constant 0 : i32
    %dma_wait3A_31 = tpu.memref_slice %arg6[%dma_wait3A] : memref<25600xi32, #tpu.memory_space<vmem>> -> memref<128xi32, #tpu.memory_space<vmem>>
    %dma_wait3A_32 = arith.constant 0 : i32
    %dma_wait3A_33 = arith.constant 0 : i32
    %dma_wait3A_34 = tpu.memref_slice %arg2[%dma_wait3A_32, %dma_wait3A_33] : memref<1000000x64xf32, #tpu.memory_space<hbm>> -> memref<1000000x64xf32, #tpu.memory_space<hbm>>
    tpu.wait_indirect_dma semaphore(%arg11 : memref<!tpu.dma_semaphore, #tpu.memory_space<semaphore_mem>>) src(%dma_wait3A_34 : memref<1000000x64xf32, #tpu.memory_space<hbm>>) dst(%arg7 : memref<128x64xf32, #tpu.memory_space<vmem>>)
    %add3A_35 = arith.constant 0 : i32
    %add3A_36 = arith.addi %mul3A_4, %add3A_35 : i32
    %dma_start3A_37 = arith.constant 0 : i32
    %dma_start3A_38 = tpu.memref_slice %arg4[%add3A_36, %dma_start3A_37] : memref<819200x64xf32, #tpu.memory_space<hbm>> -> memref<128x64xf32, #tpu.memory_space<hbm>>
    %dma_start3A_39 = arith.constant 0 : i32
    %dma_start3A_40 = tpu.memref_slice %arg4[%add3A_36, %dma_start3A_39] : memref<819200x64xf32, #tpu.memory_space<hbm>> -> memref<128x64xf32, #tpu.memory_space<hbm>>
    tpu.enqueue_dma source(%arg7 : memref<128x64xf32, #tpu.memory_space<vmem>>) target(%dma_start3A_40 : memref<128x64xf32, #tpu.memory_space<hbm>>) target_semaphore(%arg15 : memref<!tpu.dma_semaphore, #tpu.memory_space<semaphore_mem>>)
    %dma_start3A_41 = arith.constant 384 : i32
    %dma_start3A_42 = tpu.memref_slice %arg6[%dma_start3A_41] : memref<25600xi32, #tpu.memory_space<vmem>> -> memref<128xi32, #tpu.memory_space<vmem>>
    %dma_start3A_43 = arith.constant 0 : i32
    %dma_start3A_44 = arith.constant 0 : i32
    %dma_start3A_45 = tpu.memref_slice %arg2[%dma_start3A_43, %dma_start3A_44] : memref<1000000x64xf32, #tpu.memory_space<hbm>> -> memref<1000000x64xf32, #tpu.memory_space<hbm>>
    tpu.enqueue_indirect_dma source(%dma_start3A_45 : memref<1000000x64xf32, #tpu.memory_space<hbm>>) target(%arg10 : memref<128x64xf32, #tpu.memory_space<vmem>>) offsets(%dma_start3A_42 : memref<128xi32, #tpu.memory_space<vmem>>) semaphore(%arg14 : memref<!tpu.dma_semaphore, #tpu.memory_space<semaphore_mem>>)
    %dma_wait3A_46 = arith.constant 128 : i32
    %dma_wait3A_47 = tpu.memref_slice %arg6[%dma_wait3A_46] : memref<25600xi32, #tpu.memory_space<vmem>> -> memref<128xi32, #tpu.memory_space<vmem>>
    %dma_wait3A_48 = arith.constant 0 : i32
    %dma_wait3A_49 = arith.constant 0 : i32
    %dma_wait3A_50 = tpu.memref_slice %arg2[%dma_wait3A_48, %dma_wait3A_49] : memref<1000000x64xf32, #tpu.memory_space<hbm>> -> memref<1000000x64xf32, #tpu.memory_space<hbm>>
    tpu.wait_indirect_dma semaphore(%arg12 : memref<!tpu.dma_semaphore, #tpu.memory_space<semaphore_mem>>) src(%dma_wait3A_50 : memref<1000000x64xf32, #tpu.memory_space<hbm>>) dst(%arg8 : memref<128x64xf32, #tpu.memory_space<vmem>>)
    %add3A_51 = arith.constant 128 : i32
    %add3A_52 = arith.addi %mul3A_4, %add3A_51 : i32
    %dma_start3A_53 = arith.constant 0 : i32
    %dma_start3A_54 = tpu.memref_slice %arg4[%add3A_52, %dma_start3A_53] : memref<819200x64xf32, #tpu.memory_space<hbm>> -> memref<128x64xf32, #tpu.memory_space<hbm>>
    %dma_start3A_55 = arith.constant 0 : i32
    %dma_start3A_56 = tpu.memref_slice %arg4[%add3A_52, %dma_start3A_55] : memref<819200x64xf32, #tpu.memory_space<hbm>> -> memref<128x64xf32, #tpu.memory_space<hbm>>
    tpu.enqueue_dma source(%arg8 : memref<128x64xf32, #tpu.memory_space<vmem>>) target(%dma_start3A_56 : memref<128x64xf32, #tpu.memory_space<hbm>>) target_semaphore(%arg16 : memref<!tpu.dma_semaphore, #tpu.memory_space<semaphore_mem>>)
    %scan3A_57 = arith.constant 0 : i32
    %scan3A_58 = arith.constant 49 : i32
    %scan3A_59 = arith.addi %scan3A_57, %scan3A_58 : i32
    %scan3A_60 = arith.constant 1 : i32
    scf.for %scan3A_108 = %scan3A_57 to %scan3A_59 step %scan3A_60  : i32 {
      %mul3A_109 = arith.constant 1 : i32
      %mul3A_110 = arith.muli %scan3A_108, %mul3A_109 : i32
      %add3A_111 = arith.constant 1 : i32
      %add3A_112 = arith.addi %add3A_111, %mul3A_110 : i32
      %mul3A_113 = arith.constant 4 : i32
      %mul3A_114 = arith.muli %add3A_112, %mul3A_113 : i32
      %add3A_115 = arith.constant 0 : i32
      %add3A_116 = arith.addi %mul3A_114, %add3A_115 : i32
      %sub3A = arith.constant 4 : i32
      %sub3A_117 = arith.subi %add3A_116, %sub3A : i32
      %mul3A_118 = arith.constant 128 : i32
      %mul3A_119 = arith.muli %sub3A_117, %mul3A_118 : i32
      %add3A_120 = arith.addi %mul3A_4, %mul3A_119 : i32
      %dma_wait3A_121 = arith.constant 0 : i32
      %dma_wait3A_122 = tpu.memref_slice %arg4[%add3A_120, %dma_wait3A_121] : memref<819200x64xf32, #tpu.memory_space<hbm>> -> memref<128x64xf32, #tpu.memory_space<hbm>>
      %dma_wait3A_123 = arith.constant 0 : i32
      %dma_wait3A_124 = tpu.memref_slice %arg4[%add3A_120, %dma_wait3A_123] : memref<819200x64xf32, #tpu.memory_space<hbm>> -> memref<128x64xf32, #tpu.memory_space<hbm>>
      tpu.wait_dma2 semaphore(%arg15 : memref<!tpu.dma_semaphore, #tpu.memory_space<semaphore_mem>>) src(%arg7 : memref<128x64xf32, #tpu.memory_space<vmem>>) dst(%dma_wait3A_124 : memref<128x64xf32, #tpu.memory_space<hbm>>)
      %mul3A_125 = arith.constant 128 : i32
      %mul3A_126 = arith.muli %add3A_116, %mul3A_125 : i32
      %dma_start3A_127 = tpu.memref_slice %arg6[%mul3A_126] : memref<25600xi32, #tpu.memory_space<vmem>> -> memref<128xi32, #tpu.memory_space<vmem>>
      %dma_start3A_128 = arith.constant 0 : i32
      %dma_start3A_129 = arith.constant 0 : i32
      %dma_start3A_130 = tpu.memref_slice %arg2[%dma_start3A_128, %dma_start3A_129] : memref<1000000x64xf32, #tpu.memory_space<hbm>> -> memref<1000000x64xf32, #tpu.memory_space<hbm>>
      tpu.enqueue_indirect_dma source(%dma_start3A_130 : memref<1000000x64xf32, #tpu.memory_space<hbm>>) target(%arg7 : memref<128x64xf32, #tpu.memory_space<vmem>>) offsets(%dma_start3A_127 : memref<128xi32, #tpu.memory_space<vmem>>) semaphore(%arg11 : memref<!tpu.dma_semaphore, #tpu.memory_space<semaphore_mem>>)
      %sub3A_131 = arith.constant 2 : i32
      %sub3A_132 = arith.subi %add3A_116, %sub3A_131 : i32
      %mul3A_133 = arith.constant 128 : i32
      %mul3A_134 = arith.muli %sub3A_132, %mul3A_133 : i32
      %dma_wait3A_135 = tpu.memref_slice %arg6[%mul3A_134] : memref<25600xi32, #tpu.memory_space<vmem>> -> memref<128xi32, #tpu.memory_space<vmem>>
      %dma_wait3A_136 = arith.constant 0 : i32
      %dma_wait3A_137 = arith.constant 0 : i32
      %dma_wait3A_138 = tpu.memref_slice %arg2[%dma_wait3A_136, %dma_wait3A_137] : memref<1000000x64xf32, #tpu.memory_space<hbm>> -> memref<1000000x64xf32, #tpu.memory_space<hbm>>
      tpu.wait_indirect_dma semaphore(%arg13 : memref<!tpu.dma_semaphore, #tpu.memory_space<semaphore_mem>>) src(%dma_wait3A_138 : memref<1000000x64xf32, #tpu.memory_space<hbm>>) dst(%arg9 : memref<128x64xf32, #tpu.memory_space<vmem>>)
      %mul3A_139 = arith.constant 128 : i32
      %mul3A_140 = arith.muli %sub3A_132, %mul3A_139 : i32
      %add3A_141 = arith.addi %mul3A_4, %mul3A_140 : i32
      %dma_start3A_142 = arith.constant 0 : i32
      %dma_start3A_143 = tpu.memref_slice %arg4[%add3A_141, %dma_start3A_142] : memref<819200x64xf32, #tpu.memory_space<hbm>> -> memref<128x64xf32, #tpu.memory_space<hbm>>
      %dma_start3A_144 = arith.constant 0 : i32
      %dma_start3A_145 = tpu.memref_slice %arg4[%add3A_141, %dma_start3A_144] : memref<819200x64xf32, #tpu.memory_space<hbm>> -> memref<128x64xf32, #tpu.memory_space<hbm>>
      tpu.enqueue_dma source(%arg9 : memref<128x64xf32, #tpu.memory_space<vmem>>) target(%dma_start3A_145 : memref<128x64xf32, #tpu.memory_space<hbm>>) target_semaphore(%arg17 : memref<!tpu.dma_semaphore, #tpu.memory_space<semaphore_mem>>)
      %add3A_146 = arith.constant 1 : i32
      %add3A_147 = arith.addi %mul3A_114, %add3A_146 : i32
      %sub3A_148 = arith.constant 4 : i32
      %sub3A_149 = arith.subi %add3A_147, %sub3A_148 : i32
      %mul3A_150 = arith.constant 128 : i32
      %mul3A_151 = arith.muli %sub3A_149, %mul3A_150 : i32
      %add3A_152 = arith.addi %mul3A_4, %mul3A_151 : i32
      %dma_wait3A_153 = arith.constant 0 : i32
      %dma_wait3A_154 = tpu.memref_slice %arg4[%add3A_152, %dma_wait3A_153] : memref<819200x64xf32, #tpu.memory_space<hbm>> -> memref<128x64xf32, #tpu.memory_space<hbm>>
      %dma_wait3A_155 = arith.constant 0 : i32
      %dma_wait3A_156 = tpu.memref_slice %arg4[%add3A_152, %dma_wait3A_155] : memref<819200x64xf32, #tpu.memory_space<hbm>> -> memref<128x64xf32, #tpu.memory_space<hbm>>
      tpu.wait_dma2 semaphore(%arg16 : memref<!tpu.dma_semaphore, #tpu.memory_space<semaphore_mem>>) src(%arg8 : memref<128x64xf32, #tpu.memory_space<vmem>>) dst(%dma_wait3A_156 : memref<128x64xf32, #tpu.memory_space<hbm>>)
      %mul3A_157 = arith.constant 128 : i32
      %mul3A_158 = arith.muli %add3A_147, %mul3A_157 : i32
      %dma_start3A_159 = tpu.memref_slice %arg6[%mul3A_158] : memref<25600xi32, #tpu.memory_space<vmem>> -> memref<128xi32, #tpu.memory_space<vmem>>
      %dma_start3A_160 = arith.constant 0 : i32
      %dma_start3A_161 = arith.constant 0 : i32
      %dma_start3A_162 = tpu.memref_slice %arg2[%dma_start3A_160, %dma_start3A_161] : memref<1000000x64xf32, #tpu.memory_space<hbm>> -> memref<1000000x64xf32, #tpu.memory_space<hbm>>
      tpu.enqueue_indirect_dma source(%dma_start3A_162 : memref<1000000x64xf32, #tpu.memory_space<hbm>>) target(%arg8 : memref<128x64xf32, #tpu.memory_space<vmem>>) offsets(%dma_start3A_159 : memref<128xi32, #tpu.memory_space<vmem>>) semaphore(%arg12 : memref<!tpu.dma_semaphore, #tpu.memory_space<semaphore_mem>>)
      %sub3A_163 = arith.constant 2 : i32
      %sub3A_164 = arith.subi %add3A_147, %sub3A_163 : i32
      %mul3A_165 = arith.constant 128 : i32
      %mul3A_166 = arith.muli %sub3A_164, %mul3A_165 : i32
      %dma_wait3A_167 = tpu.memref_slice %arg6[%mul3A_166] : memref<25600xi32, #tpu.memory_space<vmem>> -> memref<128xi32, #tpu.memory_space<vmem>>
      %dma_wait3A_168 = arith.constant 0 : i32
      %dma_wait3A_169 = arith.constant 0 : i32
      %dma_wait3A_170 = tpu.memref_slice %arg2[%dma_wait3A_168, %dma_wait3A_169] : memref<1000000x64xf32, #tpu.memory_space<hbm>> -> memref<1000000x64xf32, #tpu.memory_space<hbm>>
      tpu.wait_indirect_dma semaphore(%arg14 : memref<!tpu.dma_semaphore, #tpu.memory_space<semaphore_mem>>) src(%dma_wait3A_170 : memref<1000000x64xf32, #tpu.memory_space<hbm>>) dst(%arg10 : memref<128x64xf32, #tpu.memory_space<vmem>>)
      %mul3A_171 = arith.constant 128 : i32
      %mul3A_172 = arith.muli %sub3A_164, %mul3A_171 : i32
      %add3A_173 = arith.addi %mul3A_4, %mul3A_172 : i32
      %dma_start3A_174 = arith.constant 0 : i32
      %dma_start3A_175 = tpu.memref_slice %arg4[%add3A_173, %dma_start3A_174] : memref<819200x64xf32, #tpu.memory_space<hbm>> -> memref<128x64xf32, #tpu.memory_space<hbm>>
      %dma_start3A_176 = arith.constant 0 : i32
      %dma_start3A_177 = tpu.memref_slice %arg4[%add3A_173, %dma_start3A_176] : memref<819200x64xf32, #tpu.memory_space<hbm>> -> memref<128x64xf32, #tpu.memory_space<hbm>>
      tpu.enqueue_dma source(%arg10 : memref<128x64xf32, #tpu.memory_space<vmem>>) target(%dma_start3A_177 : memref<128x64xf32, #tpu.memory_space<hbm>>) target_semaphore(%arg18 : memref<!tpu.dma_semaphore, #tpu.memory_space<semaphore_mem>>)
      %add3A_178 = arith.constant 2 : i32
      %add3A_179 = arith.addi %mul3A_114, %add3A_178 : i32
      %sub3A_180 = arith.constant 4 : i32
      %sub3A_181 = arith.subi %add3A_179, %sub3A_180 : i32
      %mul3A_182 = arith.constant 128 : i32
      %mul3A_183 = arith.muli %sub3A_181, %mul3A_182 : i32
      %add3A_184 = arith.addi %mul3A_4, %mul3A_183 : i32
      %dma_wait3A_185 = arith.constant 0 : i32
      %dma_wait3A_186 = tpu.memref_slice %arg4[%add3A_184, %dma_wait3A_185] : memref<819200x64xf32, #tpu.memory_space<hbm>> -> memref<128x64xf32, #tpu.memory_space<hbm>>
      %dma_wait3A_187 = arith.constant 0 : i32
      %dma_wait3A_188 = tpu.memref_slice %arg4[%add3A_184, %dma_wait3A_187] : memref<819200x64xf32, #tpu.memory_space<hbm>> -> memref<128x64xf32, #tpu.memory_space<hbm>>
      tpu.wait_dma2 semaphore(%arg17 : memref<!tpu.dma_semaphore, #tpu.memory_space<semaphore_mem>>) src(%arg9 : memref<128x64xf32, #tpu.memory_space<vmem>>) dst(%dma_wait3A_188 : memref<128x64xf32, #tpu.memory_space<hbm>>)
      %mul3A_189 = arith.constant 128 : i32
      %mul3A_190 = arith.muli %add3A_179, %mul3A_189 : i32
      %dma_start3A_191 = tpu.memref_slice %arg6[%mul3A_190] : memref<25600xi32, #tpu.memory_space<vmem>> -> memref<128xi32, #tpu.memory_space<vmem>>
      %dma_start3A_192 = arith.constant 0 : i32
      %dma_start3A_193 = arith.constant 0 : i32
      %dma_start3A_194 = tpu.memref_slice %arg2[%dma_start3A_192, %dma_start3A_193] : memref<1000000x64xf32, #tpu.memory_space<hbm>> -> memref<1000000x64xf32, #tpu.memory_space<hbm>>
      tpu.enqueue_indirect_dma source(%dma_start3A_194 : memref<1000000x64xf32, #tpu.memory_space<hbm>>) target(%arg9 : memref<128x64xf32, #tpu.memory_space<vmem>>) offsets(%dma_start3A_191 : memref<128xi32, #tpu.memory_space<vmem>>) semaphore(%arg13 : memref<!tpu.dma_semaphore, #tpu.memory_space<semaphore_mem>>)
      %sub3A_195 = arith.constant 2 : i32
      %sub3A_196 = arith.subi %add3A_179, %sub3A_195 : i32
      %mul3A_197 = arith.constant 128 : i32
      %mul3A_198 = arith.muli %sub3A_196, %mul3A_197 : i32
      %dma_wait3A_199 = tpu.memref_slice %arg6[%mul3A_198] : memref<25600xi32, #tpu.memory_space<vmem>> -> memref<128xi32, #tpu.memory_space<vmem>>
      %dma_wait3A_200 = arith.constant 0 : i32
      %dma_wait3A_201 = arith.constant 0 : i32
      %dma_wait3A_202 = tpu.memref_slice %arg2[%dma_wait3A_200, %dma_wait3A_201] : memref<1000000x64xf32, #tpu.memory_space<hbm>> -> memref<1000000x64xf32, #tpu.memory_space<hbm>>
      tpu.wait_indirect_dma semaphore(%arg11 : memref<!tpu.dma_semaphore, #tpu.memory_space<semaphore_mem>>) src(%dma_wait3A_202 : memref<1000000x64xf32, #tpu.memory_space<hbm>>) dst(%arg7 : memref<128x64xf32, #tpu.memory_space<vmem>>)
      %mul3A_203 = arith.constant 128 : i32
      %mul3A_204 = arith.muli %sub3A_196, %mul3A_203 : i32
      %add3A_205 = arith.addi %mul3A_4, %mul3A_204 : i32
      %dma_start3A_206 = arith.constant 0 : i32
      %dma_start3A_207 = tpu.memref_slice %arg4[%add3A_205, %dma_start3A_206] : memref<819200x64xf32, #tpu.memory_space<hbm>> -> memref<128x64xf32, #tpu.memory_space<hbm>>
      %dma_start3A_208 = arith.constant 0 : i32
      %dma_start3A_209 = tpu.memref_slice %arg4[%add3A_205, %dma_start3A_208] : memref<819200x64xf32, #tpu.memory_space<hbm>> -> memref<128x64xf32, #tpu.memory_space<hbm>>
      tpu.enqueue_dma source(%arg7 : memref<128x64xf32, #tpu.memory_space<vmem>>) target(%dma_start3A_209 : memref<128x64xf32, #tpu.memory_space<hbm>>) target_semaphore(%arg15 : memref<!tpu.dma_semaphore, #tpu.memory_space<semaphore_mem>>)
      %add3A_210 = arith.constant 3 : i32
      %add3A_211 = arith.addi %mul3A_114, %add3A_210 : i32
      %sub3A_212 = arith.constant 4 : i32
      %sub3A_213 = arith.subi %add3A_211, %sub3A_212 : i32
      %mul3A_214 = arith.constant 128 : i32
      %mul3A_215 = arith.muli %sub3A_213, %mul3A_214 : i32
      %add3A_216 = arith.addi %mul3A_4, %mul3A_215 : i32
      %dma_wait3A_217 = arith.constant 0 : i32
      %dma_wait3A_218 = tpu.memref_slice %arg4[%add3A_216, %dma_wait3A_217] : memref<819200x64xf32, #tpu.memory_space<hbm>> -> memref<128x64xf32, #tpu.memory_space<hbm>>
      %dma_wait3A_219 = arith.constant 0 : i32
      %dma_wait3A_220 = tpu.memref_slice %arg4[%add3A_216, %dma_wait3A_219] : memref<819200x64xf32, #tpu.memory_space<hbm>> -> memref<128x64xf32, #tpu.memory_space<hbm>>
      tpu.wait_dma2 semaphore(%arg18 : memref<!tpu.dma_semaphore, #tpu.memory_space<semaphore_mem>>) src(%arg10 : memref<128x64xf32, #tpu.memory_space<vmem>>) dst(%dma_wait3A_220 : memref<128x64xf32, #tpu.memory_space<hbm>>)
      %mul3A_221 = arith.constant 128 : i32
      %mul3A_222 = arith.muli %add3A_211, %mul3A_221 : i32
      %dma_start3A_223 = tpu.memref_slice %arg6[%mul3A_222] : memref<25600xi32, #tpu.memory_space<vmem>> -> memref<128xi32, #tpu.memory_space<vmem>>
      %dma_start3A_224 = arith.constant 0 : i32
      %dma_start3A_225 = arith.constant 0 : i32
      %dma_start3A_226 = tpu.memref_slice %arg2[%dma_start3A_224, %dma_start3A_225] : memref<1000000x64xf32, #tpu.memory_space<hbm>> -> memref<1000000x64xf32, #tpu.memory_space<hbm>>
      tpu.enqueue_indirect_dma source(%dma_start3A_226 : memref<1000000x64xf32, #tpu.memory_space<hbm>>) target(%arg10 : memref<128x64xf32, #tpu.memory_space<vmem>>) offsets(%dma_start3A_223 : memref<128xi32, #tpu.memory_space<vmem>>) semaphore(%arg14 : memref<!tpu.dma_semaphore, #tpu.memory_space<semaphore_mem>>)
      %sub3A_227 = arith.constant 2 : i32
      %sub3A_228 = arith.subi %add3A_211, %sub3A_227 : i32
      %mul3A_229 = arith.constant 128 : i32
      %mul3A_230 = arith.muli %sub3A_228, %mul3A_229 : i32
      %dma_wait3A_231 = tpu.memref_slice %arg6[%mul3A_230] : memref<25600xi32, #tpu.memory_space<vmem>> -> memref<128xi32, #tpu.memory_space<vmem>>
      %dma_wait3A_232 = arith.constant 0 : i32
      %dma_wait3A_233 = arith.constant 0 : i32
      %dma_wait3A_234 = tpu.memref_slice %arg2[%dma_wait3A_232, %dma_wait3A_233] : memref<1000000x64xf32, #tpu.memory_space<hbm>> -> memref<1000000x64xf32, #tpu.memory_space<hbm>>
      tpu.wait_indirect_dma semaphore(%arg12 : memref<!tpu.dma_semaphore, #tpu.memory_space<semaphore_mem>>) src(%dma_wait3A_234 : memref<1000000x64xf32, #tpu.memory_space<hbm>>) dst(%arg8 : memref<128x64xf32, #tpu.memory_space<vmem>>)
      %mul3A_235 = arith.constant 128 : i32
      %mul3A_236 = arith.muli %sub3A_228, %mul3A_235 : i32
      %add3A_237 = arith.addi %mul3A_4, %mul3A_236 : i32
      %dma_start3A_238 = arith.constant 0 : i32
      %dma_start3A_239 = tpu.memref_slice %arg4[%add3A_237, %dma_start3A_238] : memref<819200x64xf32, #tpu.memory_space<hbm>> -> memref<128x64xf32, #tpu.memory_space<hbm>>
      %dma_start3A_240 = arith.constant 0 : i32
      %dma_start3A_241 = tpu.memref_slice %arg4[%add3A_237, %dma_start3A_240] : memref<819200x64xf32, #tpu.memory_space<hbm>> -> memref<128x64xf32, #tpu.memory_space<hbm>>
      tpu.enqueue_dma source(%arg8 : memref<128x64xf32, #tpu.memory_space<vmem>>) target(%dma_start3A_241 : memref<128x64xf32, #tpu.memory_space<hbm>>) target_semaphore(%arg16 : memref<!tpu.dma_semaphore, #tpu.memory_space<semaphore_mem>>)
    }
    %scan3A_61 = arith.constant 49 : i32
    %dma_wait3A_62 = arith.constant 25344 : i32
    %dma_wait3A_63 = tpu.memref_slice %arg6[%dma_wait3A_62] : memref<25600xi32, #tpu.memory_space<vmem>> -> memref<128xi32, #tpu.memory_space<vmem>>
    %dma_wait3A_64 = arith.constant 0 : i32
    %dma_wait3A_65 = arith.constant 0 : i32
    %dma_wait3A_66 = tpu.memref_slice %arg2[%dma_wait3A_64, %dma_wait3A_65] : memref<1000000x64xf32, #tpu.memory_space<hbm>> -> memref<1000000x64xf32, #tpu.memory_space<hbm>>
    tpu.wait_indirect_dma semaphore(%arg13 : memref<!tpu.dma_semaphore, #tpu.memory_space<semaphore_mem>>) src(%dma_wait3A_66 : memref<1000000x64xf32, #tpu.memory_space<hbm>>) dst(%arg9 : memref<128x64xf32, #tpu.memory_space<vmem>>)
    %add3A_67 = arith.constant 25344 : i32
    %add3A_68 = arith.addi %mul3A_4, %add3A_67 : i32
    %dma_start3A_69 = arith.constant 0 : i32
    %dma_start3A_70 = tpu.memref_slice %arg4[%add3A_68, %dma_start3A_69] : memref<819200x64xf32, #tpu.memory_space<hbm>> -> memref<128x64xf32, #tpu.memory_space<hbm>>
    %dma_start3A_71 = arith.constant 0 : i32
    %dma_start3A_72 = tpu.memref_slice %arg4[%add3A_68, %dma_start3A_71] : memref<819200x64xf32, #tpu.memory_space<hbm>> -> memref<128x64xf32, #tpu.memory_space<hbm>>
    tpu.enqueue_dma source(%arg9 : memref<128x64xf32, #tpu.memory_space<vmem>>) target(%dma_start3A_72 : memref<128x64xf32, #tpu.memory_space<hbm>>) target_semaphore(%arg17 : memref<!tpu.dma_semaphore, #tpu.memory_space<semaphore_mem>>)
    %dma_wait3A_73 = arith.constant 25472 : i32
    %dma_wait3A_74 = tpu.memref_slice %arg6[%dma_wait3A_73] : memref<25600xi32, #tpu.memory_space<vmem>> -> memref<128xi32, #tpu.memory_space<vmem>>
    %dma_wait3A_75 = arith.constant 0 : i32
    %dma_wait3A_76 = arith.constant 0 : i32
    %dma_wait3A_77 = tpu.memref_slice %arg2[%dma_wait3A_75, %dma_wait3A_76] : memref<1000000x64xf32, #tpu.memory_space<hbm>> -> memref<1000000x64xf32, #tpu.memory_space<hbm>>
    tpu.wait_indirect_dma semaphore(%arg14 : memref<!tpu.dma_semaphore, #tpu.memory_space<semaphore_mem>>) src(%dma_wait3A_77 : memref<1000000x64xf32, #tpu.memory_space<hbm>>) dst(%arg10 : memref<128x64xf32, #tpu.memory_space<vmem>>)
    %add3A_78 = arith.constant 25472 : i32
    %add3A_79 = arith.addi %mul3A_4, %add3A_78 : i32
    %dma_start3A_80 = arith.constant 0 : i32
    %dma_start3A_81 = tpu.memref_slice %arg4[%add3A_79, %dma_start3A_80] : memref<819200x64xf32, #tpu.memory_space<hbm>> -> memref<128x64xf32, #tpu.memory_space<hbm>>
    %dma_start3A_82 = arith.constant 0 : i32
    %dma_start3A_83 = tpu.memref_slice %arg4[%add3A_79, %dma_start3A_82] : memref<819200x64xf32, #tpu.memory_space<hbm>> -> memref<128x64xf32, #tpu.memory_space<hbm>>
    tpu.enqueue_dma source(%arg10 : memref<128x64xf32, #tpu.memory_space<vmem>>) target(%dma_start3A_83 : memref<128x64xf32, #tpu.memory_space<hbm>>) target_semaphore(%arg18 : memref<!tpu.dma_semaphore, #tpu.memory_space<semaphore_mem>>)
    %add3A_84 = arith.constant 25088 : i32
    %add3A_85 = arith.addi %mul3A_4, %add3A_84 : i32
    %dma_wait3A_86 = arith.constant 0 : i32
    %dma_wait3A_87 = tpu.memref_slice %arg4[%add3A_85, %dma_wait3A_86] : memref<819200x64xf32, #tpu.memory_space<hbm>> -> memref<128x64xf32, #tpu.memory_space<hbm>>
    %dma_wait3A_88 = arith.constant 0 : i32
    %dma_wait3A_89 = tpu.memref_slice %arg4[%add3A_85, %dma_wait3A_88] : memref<819200x64xf32, #tpu.memory_space<hbm>> -> memref<128x64xf32, #tpu.memory_space<hbm>>
    tpu.wait_dma2 semaphore(%arg15 : memref<!tpu.dma_semaphore, #tpu.memory_space<semaphore_mem>>) src(%arg7 : memref<128x64xf32, #tpu.memory_space<vmem>>) dst(%dma_wait3A_89 : memref<128x64xf32, #tpu.memory_space<hbm>>)
    %add3A_90 = arith.constant 25216 : i32
    %add3A_91 = arith.addi %mul3A_4, %add3A_90 : i32
    %dma_wait3A_92 = arith.constant 0 : i32
    %dma_wait3A_93 = tpu.memref_slice %arg4[%add3A_91, %dma_wait3A_92] : memref<819200x64xf32, #tpu.memory_space<hbm>> -> memref<128x64xf32, #tpu.memory_space<hbm>>
    %dma_wait3A_94 = arith.constant 0 : i32
    %dma_wait3A_95 = tpu.memref_slice %arg4[%add3A_91, %dma_wait3A_94] : memref<819200x64xf32, #tpu.memory_space<hbm>> -> memref<128x64xf32, #tpu.memory_space<hbm>>
    tpu.wait_dma2 semaphore(%arg16 : memref<!tpu.dma_semaphore, #tpu.memory_space<semaphore_mem>>) src(%arg8 : memref<128x64xf32, #tpu.memory_space<vmem>>) dst(%dma_wait3A_95 : memref<128x64xf32, #tpu.memory_space<hbm>>)
    %add3A_96 = arith.constant 25344 : i32
    %add3A_97 = arith.addi %mul3A_4, %add3A_96 : i32
    %dma_wait3A_98 = arith.constant 0 : i32
    %dma_wait3A_99 = tpu.memref_slice %arg4[%add3A_97, %dma_wait3A_98] : memref<819200x64xf32, #tpu.memory_space<hbm>> -> memref<128x64xf32, #tpu.memory_space<hbm>>
    %dma_wait3A_100 = arith.constant 0 : i32
    %dma_wait3A_101 = tpu.memref_slice %arg4[%add3A_97, %dma_wait3A_100] : memref<819200x64xf32, #tpu.memory_space<hbm>> -> memref<128x64xf32, #tpu.memory_space<hbm>>
    tpu.wait_dma2 semaphore(%arg17 : memref<!tpu.dma_semaphore, #tpu.memory_space<semaphore_mem>>) src(%arg9 : memref<128x64xf32, #tpu.memory_space<vmem>>) dst(%dma_wait3A_101 : memref<128x64xf32, #tpu.memory_space<hbm>>)
    %add3A_102 = arith.constant 25472 : i32
    %add3A_103 = arith.addi %mul3A_4, %add3A_102 : i32
    %dma_wait3A_104 = arith.constant 0 : i32
    %dma_wait3A_105 = tpu.memref_slice %arg4[%add3A_103, %dma_wait3A_104] : memref<819200x64xf32, #tpu.memory_space<hbm>> -> memref<128x64xf32, #tpu.memory_space<hbm>>
    %dma_wait3A_106 = arith.constant 0 : i32
    %dma_wait3A_107 = tpu.memref_slice %arg4[%add3A_103, %dma_wait3A_106] : memref<819200x64xf32, #tpu.memory_space<hbm>> -> memref<128x64xf32, #tpu.memory_space<hbm>>
    tpu.wait_dma2 semaphore(%arg18 : memref<!tpu.dma_semaphore, #tpu.memory_space<semaphore_mem>>) src(%arg10 : memref<128x64xf32, #tpu.memory_space<vmem>>) dst(%dma_wait3A_107 : memref<128x64xf32, #tpu.memory_space<hbm>>)
    return
  }
}

</mosaic_0001>

<sc_bundles>
// kernel: kernel.3.cloned.1.call-start
scs
__scs_entry_jumppad:
0x0: {  	(pc) =	sbr.rel $0x88, $3  }
0x1: {  	(tag) =	ssettag $0x0;
	lr =	simm.s32 $0x1  }
0x2: {  	[smem:$0x3F9F] =	sst lr;
	_ =	strace $0xD0000000  }
0x3: {  	_ = 	snop  }
0x4: {  	_ = 	snop  }
0x5: {  	_ = 	snop  }
0x6: {  	_ = 	snop  }
0x7: {  	_ = 	snop  }
__scs_overlays_trampoline_lowered:
0x8: {  	[smem:$0x3FAE] =	sst s0  }
0x9: {  	[smem:$0x3FAF] =	sst s1  }
0xa: {  	[smem:$0x3FB0] =	sst s2  }
0xb: {  	[smem:$0x3FB1] =	sst s3  }
0xc: {  	[smem:$0x3FB2] =	sst s4  }
0xd: {  	[smem:$0x3FB3] =	sst s5  }
0xe: {  	[smem:$0x3FB4] =	sst s6  }
0xf: {  	[smem:$0x3FB5] =	sst s7  }
0x10: {  	[smem:$0x3FB6] =	sst s8  }
0x11: {  	[smem:$0x3FB7] =	sst s9;
	s0 =	simm.s32 @!p0 $0x0  }
0x12: {  	s1 =	sld [smem:$0x3F9D];
	s0 =	simm.s32 @p0 $0x1  }
0x13: {  	[smem:$0x3FB8] =	sst s0;
	s0 =	simm.s32 @!p1 $0x0  }
0x14: {  	s2 =	sld [smem:$0x3F9C];
	s0 =	simm.s32 @p1 $0x1  }
0x15: {  	[smem:$0x3FB9] =	sst s0;
	s0 =	simm.s32 @!p2 $0x0  }
0x16: {  	s3 =	sld [smem:$0x3FDB];
	s0 =	simm.s32 @p2 $0x1  }
0x17: {  	s4 =	simm.s32 $0x1BF5;
	[smem:$0x3FBB] =	sst s0  }
0x18: {  	s0 =	sld [smem:$0x3F9E];
	_ =	swait.ge [sflag:s4], $0x0  }
0x19: {  	s7 =	sld [smem:$0x3F9F]  }
0x1a: {  	s8 =	sadd.s32 $0xFFFFE003, lr  }
0x1b: {  	s9 =	sadd.s32 $0xFFFFFEF7, lr;
	s5 =	simm.s32 $0xFFFFFFFF;
	p2 =	slt.u32 s8, $0xFFFFF086  }
0x1c: {  	p1 =	slt.u32 s9, $0xF7A;
	s5 =	simm.s32 @!p2 $0x0  }
0x1d: {  	s5 =	simm.s32 @p1 $0x1;
	p0 =	seq.s32 s7, s2  }
0x1e: {  	s7 =	smul.u32 @!p0 $0xF7A, s2;
	p2 =	seq.s32 @!p0 s5, $0x0  }
0x1f: {  	s9 =	smul.u32 $0xF7A, s1;
	s8 =	simm.s32 @!p0 $0x1BF5;
	p2 =	por !p2, p0  }
0x20: {  	[sflag:s8] =	ssyncset.s32 @!p0 $0xFFFFF086;
	s6 =	sadd.s32 @!p0 s3, s7;
	s7 =	simm.s32 @!p0 $0x108  }
0x21: {  	s3 =	sadd.s32 s3, s9;
	s6 =	sadd.s32 @!p0 $0x88, s6;
	s7 =	simm.s32 @p2 $0x1082  }
0x22: {  	[simem:s7], [sflag:s8] =	dma.local @!p0 [hbm:s6], $0xF7A  }
0x23: {  	s9 =	sor.u32 $0xD0000000, s2;
	s6 =	simm.s32 $0x108;
	_ =	swait.ge @!p0 [sflag:s8], $0x0  }
0x24: {  	s3 =	sadd.s32 $0x88, s3;
	s6 =	simm.s32 @!p1 $0x1082;
	[sflag:s4] =	ssyncset.s32 $0xFFFFF086  }
0x25: {  	[simem:s6], [sflag:s4] =	dma.local [hbm:s3], $0xF7A  }
0x26: {  	[smem:$0x3F9F] =	sst s1;
	(tag) =	ssettag s2;
	_ =	strace s9  }
0x27: {  	s1 =	sld [smem:$0x3FAF]  }
0x28: {  	s2 =	sld [smem:$0x3FB0]  }
0x29: {  	s4 =	sld [smem:$0x3FB2]  }
0x2a: {  	p0 =	seq.s32 s5, $0x0;
	s5 =	sld [smem:$0x3FB3]  }
0x2b: {  	s6 =	sld [smem:$0x3FB4]  }
0x2c: {  	s7 =	sld [smem:$0x3FB5]  }
0x2d: {  	s3 =	simm.s32 $0x108;
	s8 =	sld [smem:$0x3FB6]  }
0x2e: {  	s3 =	simm.s32 @!p0 $0x1082;
	s9 =	sld [smem:$0x3FB7]  }
0x2f: {  	lr =	sadd.s32 s0, s3;
	s0 =	sld [smem:$0x3FAE]  }
0x30: {  	s3 =	sld [smem:$0x3FB1]  }
0x31: {  	[smem:$0x3FBA] =	sst s10  }
0x32: {  	s10 =	sld [smem:$0x3FB8];
	_ =	sdelay $0x3  }
0x33: {  	p0 =	seq.s32 s10, $0x1;
	s10 =	sld [smem:$0x3FBA];
	_ =	sdelay $0x3  }
0x34: {  	[smem:$0x3FBA] =	sst s10  }
0x35: {  	s10 =	sld [smem:$0x3FB9];
	_ =	sdelay $0x3  }
0x36: {  	p1 =	seq.s32 s10, $0x1;
	s10 =	sld [smem:$0x3FBA];
	_ =	sdelay $0x3  }
0x37: {  	[smem:$0x3FBA] =	sst s10  }
0x38: {  	s10 =	sld [smem:$0x3FBB]  }
0x39: {  	_ = 	snop;
	(pc) =	sbr.ind lr, $3  }
0x3a: {  	_ = 	snop  }
0x3b: {  	_ = 	snop  }
0x3c: {  	p2 =	seq.s32 s10, $0x1;
	s10 =	sld [smem:$0x3FBA]  }
0x3d: {  	_ =	shalt  }
0x3e: {  	_ =	shalt  }
0x3f: {  	_ =	shalt  }
0x40: {  	_ =	shalt  }
0x41: {  	_ =	shalt  }
0x42: {  	_ =	shalt  }
0x43: {  	_ =	shalt  }
0x44: {  	_ =	shalt  }
0x45: {  	_ =	shalt  }
0x46: {  	_ =	shalt  }
0x47: {  	_ =	shalt  }
0x48: {  	_ =	shalt  }
0x49: {  	_ =	shalt  }
0x4a: {  	_ =	shalt  }
0x4b: {  	_ =	shalt  }
0x4c: {  	_ =	shalt  }
0x4d: {  	_ =	shalt  }
0x4e: {  	_ =	shalt  }
0x4f: {  	_ =	shalt  }
0x50: {  	_ =	shalt  }
0x51: {  	_ =	shalt  }
0x52: {  	_ =	shalt  }
0x53: {  	_ =	shalt  }
0x54: {  	_ =	shalt  }
0x55: {  	_ =	shalt  }
0x56: {  	_ =	shalt  }
0x57: {  	_ =	shalt  }
0x58: {  	_ =	shalt  }
0x59: {  	_ =	shalt  }
0x5a: {  	_ =	shalt  }
0x5b: {  	_ =	shalt  }
0x5c: {  	_ =	shalt  }
0x5d: {  	_ =	shalt  }
0x5e: {  	_ =	shalt  }
0x5f: {  	_ =	shalt  }
0x60: {  	_ =	shalt  }
0x61: {  	_ =	shalt  }
0x62: {  	_ =	shalt  }
0x63: {  	_ =	shalt  }
0x64: {  	_ =	shalt  }
0x65: {  	_ =	shalt  }
0x66: {  	_ =	shalt  }
0x67: {  	_ =	shalt  }
0x68: {  	_ =	shalt  }
0x69: {  	_ =	shalt  }
0x6a: {  	_ =	shalt  }
0x6b: {  	_ =	shalt  }
0x6c: {  	_ =	shalt  }
0x6d: {  	_ =	shalt  }
0x6e: {  	_ =	shalt  }
0x6f: {  	_ =	shalt  }
0x70: {  	_ =	shalt  }
0x71: {  	_ =	shalt  }
0x72: {  	_ =	shalt  }
0x73: {  	_ =	shalt  }
0x74: {  	_ =	shalt  }
0x75: {  	_ =	shalt  }
0x76: {  	_ =	shalt  }
0x77: {  	_ =	shalt  }
0x78: {  	_ =	shalt  }
0x79: {  	_ =	shalt  }
0x7a: {  	_ =	shalt  }
0x7b: {  	_ =	shalt  }
0x7c: {  	_ =	shalt  }
0x7d: {  	_ =	shalt  }
0x7e: {  	_ =	shalt  }
0x7f: {  	_ =	shalt  }
0x80: {  	_ =	shalt  }
0x81: {  	_ =	shalt  }
0x82: {  	_ =	shalt  }
0x83: {  	_ =	shalt  }
0x84: {  	_ =	shalt  }
0x85: {  	_ =	shalt  }
0x86: {  	_ =	shalt  }
0x87: {  	_ =	shalt  }
.Lfunc_end0:
.L_simem_size_0:
called_computation.1_lowered:
.L_overlay_start_0:
0x88: {  	s2 =	sld [smem:$0x3FD9]  }
0x89: {  	s3 =	sld [smem:$0x3FFE];
	_ =	sdelay $0x1  }
0x8a: {  	s1 =	srdreg.scid  }
0x8b: {  	s0 =	sand.u32 $0x1, s1  }
0x8c: {  	s17 =	sshll.u32 s0, $0xA;
	s2 =	sadd.s32 s3, s2  }
0x8d: {  	s2 =	sadd.s32 s2, s17  }
0x8e: {  	[smem:$0x3FC6] =	sst s2  }
0x8f: {  	_ = 	snop  }
0x90: {  	s2 =	sld [smem:$0x3FD0];
	(tm) =	ssettm $0x1  }
0x91: {  	s18 =	sld [smem:$0x3FFB];
	_ =	sdelay $0x3  }
0x92: {  	_ =	strace s18  }
0x93: {  	s3 =	sld [smem:$0x3FFC];
	_ =	sdelay $0x3  }
0x94: {  	_ =	strace s3  }
0x95: {  	s3 =	sld [smem:$0x3FFD];
	_ =	sdelay $0x3  }
0x96: {  	_ =	strace s3  }
0x97: {  	_ =	strace $0x8FFFFFFF  }
0x98: {  	s19 =	sld [smem:$0x3FDB];
	_ =	sdelay $0x1  }
0x99: {  	s4 =	simm.s32 $_scs_section_size  }
0x9a: {  	s5 =	simm.s32 $_size__tile_overlayer_lowered;
	s6 =	simm.s32 $_tile_overlayer_lowered  }
0x9b: {  	s22 =	simm.s32 $0x1BFF;
	s21 =	sshll.u32 s6, $0x1;
	s3 =	sadd.s32 s4, s19  }
0x9c: {  	s7 =	simm.s32 $0x0;
	s20 =	sshll.u32 s5, $0x1;
	s5 =	sadd.s32 s21, s3  }
0x9d: {  	[timem:s7], [sflag:s22] =	dma.local [hbm:s5], s20  }
0x9e: {  	_ =	swait.ge [sflag:s22], s20  }
0x9f: {  	s4 =	ssub.s32 $0x0, s20;
	[sflag:s22] =	ssyncset.done $0x0  }
0xa0: {  	[sflag:s22] =	ssyncadd.s32 s4;
	_ =	sdelay $0x1  }
0xa1: {  	s23 =	simm.s32 $0x1B8B  }
0xa2: {  	_ =	swait.ge [sflag:s23], $0x1  }
0xa3: {  	[sflag:s23] =	ssyncset.done $0x0  }
0xa4: {  	s25 =	simm.s32 $0x1B8E;
	s24 =	sld [smem:$0x3FFE];
	[sflag:s23] =	ssyncadd.s32 $0xFFFFFFFF  }
0xa5: {  	s26 =	simm.s32 $execute0_lowered;
	[smem:$0x3FD2] =	sst s25  }
0xa6: {  	s5 =	sshll.u32 s26, $0x1;
	_ =	strace $0x80000046;
	[dreg:$0x1] =	wrdreg $0xFFFFFFFF  }
0xa7: {  	s28 =	simm.s32 $_size_execute0_lowered;
	s3 =	sadd.s32 s3, s5;
	[dreg:$0x0] =	wrdreg $0x0  }
0xa8: {  	s5 =	sshll.u32 s28, $0x1;
	[dreg:$0x2] =	wrdreg s3  }
0xa9: {  	[dreg:$0x3] =	wrdreg s5  }
0xaa: {  	[dreg:$0x4] =	wrdreg $0xC0  }
0xab: {  	_ =	task [dreg:s7], $0x5FFFF  }
0xac: {  	[dreg:$0x1] =	wrdreg $0xFFFFFFFF  }
0xad: {  	[dreg:$0x0] =	wrdreg $0x60  }
0xae: {  	[dreg:$0x2] =	wrdreg s24  }
0xaf: {  	[dreg:$0x3] =	wrdreg s2  }
0xb0: {  	[dreg:$0x4] =	wrdreg $0x9  }
0xb1: {  	_ =	task.clear_ibuf [dreg:s7], $0x5FFFF;
	_ =	strace $0x90000046  }
0xb2: {  	s29 =	simm.s32 $0x9;
	_ =	strace $0x80000048  }
0xb3: {  	_ =	swait.ge [sflag:s29], $0x1  }
0xb4: {  	[sflag:s29] =	ssyncadd.s32 $0xFFFFFFFF  }
0xb5: {  	_ =	strace $0x90000048  }
0xb6: {  	_ =	sfence  }
0xb7: {  	s30 =	sld [smem:$0x0];
	_ =	sdelay $0x2  }
0xb8: {  	s31 =	sshll.u32 s1, $0xD;
	s1 =	sshrl.u32 s1, $0x2  }
0xb9: {  	s3 =	sand.u32 $0x4000, s31;
	s1 =	sadd.s32 s1, s30  }
0xba: {  	s0 =	sor.u32 s3, s0;
	s1 =	sshll.u32 s1, $0x11  }
0xbb: {  	s0 =	sor.u32 s1, s0  }
0xbc: {  	s0 =	sadd.s32 $0x8F2B, s0  }
0xbd: {  	[sflag:s0] =	ssyncadd.remote.s32 $0x1  }
0xbe: {  	_ =	sfence.sel $0xFFFF  }
0xbf: {  	[dreg:$0x0] =	wrdreg $0xFFFFFFFF;
	(pc) =	sbr.abs _section_cstart, $3  }
0xc0: {  	[dreg:$0x1] =	wrdreg $0xFFFFFFFF  }
0xc1: {  	_ =	task.clear_ibuf [dreg:s7], $0x2FFFF;
	_ =	strace $0x9FFFFFFF  }
0xc2: {  	(tm) =	ssettm $0x7FFFFFFF  }
0xc3: {  	_ =	shalt  }
tec
execute0_lowered:
.L_overlay_start_1:
0x0: {  	(tag) =	ssettag $0x1  }
0x1: {  	s0 =	srdreg.scid;
	s3 =	rddreg [dreg:$0x0]  }
0x2: {  	s8 =	stileid.u32;
	s4 =	rddreg [dreg:$0x1];
	s2 =	simm.s32 $0x0  }
0x3: {  	s14 =	simm.s32 $0x9;
	s15 =	simm.s32 $0x7000;
	s16 =	simm.s32 $0x80  }
0x4: {  	s17 =	simm.s32 $0xD400;
	s19 =	simm.s32 $0xF400;
	s21 =	simm.s32 $0x11400  }
0x5: {  	s22 =	simm.s32 $0x1;
	s24 =	simm.s32 $0x13400;
	s28 =	simm.s32 $0x3  }
0x6: {  	s0 =	sand.u32 $0x1, s0;
	s1 =	sshll.u32 s8, $0x1;
	s8 =	smul.u32 $0xC800, s8  }
0x7: {  	s1 =	sor.u32 s0, s1;
	s7 =	ssub.s32 $0x2, s0;
	s0 =	smul.u32 $0x6400, s0  }
0x8: {  	s29 =	simm.s32 $0x6;
	s30 =	simm.s32 $0x4;
	s5 =	smul.u32 $0xE00, s1  }
0x9: {  	s31 =	simm.s32 $0x7;
	[smem:$0x7FF] =	sst s2;
	s6 =	smul.u32 $0x32000, s1  }
0xa: {  	_ =	strace $0x80000047;
	s1 =	smul.u32 $0x190000, s1;
	s9 =	sshrl.u32 s7, $0x1  }
0xb: {  	s7 =	ssub.s32 s7, s9;
	s0 =	sadd.s32 s0, s8;
	s5 =	sadd.s32 s5, s3  }
0xc: {  	s3 =	sadd.s32 $0xF42E00, s3;
	s25 =	sadd.s32 s4, s6;
	s1 =	sshrl.u32 s1, $0x3  }
0xd: {  	s0 =	sshll.u32 s0, $0x3;
	s9 =	smax.u32 s7, $0x1;
	s5 =	sadd.s32 $0xA00, s5  }
0xe: {  	[dreg:$0x4] =	wrdreg s25;
	s1 =	sadd.s32 s4, s1;
	s0 =	sadd.s32 s0, s4  }
0xf: {  	[dreg:$0x3] =	wrdreg s5;
	s5 =	sadd.s32 $0x400, s25;
	s26 =	sadd.s32 $0x31800, s1  }
0x10: {  	v0 =	vimm.s32 $0x3130;
	s1 =	sadd.s32 $0x31C00, s1;
	s10 =	sadd.s32 $0xC00, s0;
	s11 =	sadd.s32 $0x800, s0  }
0x11: {  	v1 =	vunpack.c.0.s8.s32 v0;
	s7 =	sadd.s32 $0x1400, s0;
	s13 =	sadd.s32 $0x1000, s0;
	[dreg:$0x5] =	wrdreg s5  }
0x12: {  	vm0 =	vcmask $0xF00;
	s25 =	simm.s32 $0x2;
	s0 =	simm.s32 $0x0;
	[dreg:$0x6] =	wrdreg s26  }
0x13: {  	v0 =	vlaneseq.u32;
	v1 =	vnsel vm0, $0x0, v1;
	[dreg:$0x7] =	wrdreg s1;
	s26 =	simm.s32 $0x5;
	s1 =	simm.s32 $0x8  }
.LBB2_1:
0x14: {  	s4 =	rddreg [dreg:$0x3]  }
0x15: {  	[tilespmem:s2], [sflag:$0x9] =	stream.linear.gather [hbm4b:s4+s2], $0x7000, $0x38;
	[tilespmem:$0x15400] =	vst v63  }
0x16: {  	_ =	swait.ge [sflag:s14], $0x7000  }
0x17: {  	[sflag:s14] =	ssyncset.done $0x0  }
0x18: {  	s6 =	simm.s32 $0x10;
	[sflag:s14] =	ssyncadd.s32 $0xFFFF9000  }
0x19: {  	v3 =	vadd.s32 s2, v0;
	s18 =	simm.s32 $0x1;
	s12 =	simm.s32 $0x0;
	s4 =	simm.s32 $0x0;
	v2 =	vld [tilespmem:s6+$0xFFFFFFF0]  }
.LBB2_2:
0x1a: {  	p0 =	sne.s32 s18, $0x1FF;
	_ =	sdelay $0x3  }
0x1b: {  	s20 =	sadd.s32 $0x10, s4;
	[tilespmem:v3+s15+$0x0] =	vst.idx.msk $0xffff, v2  }
0x1c: {  	v3 =	vadd.s32 s20, v0;
	v2 =	vld [tilespmem:s6+$0x0];
	_ =	sdelay $0x1  }
0x1d: {  	v4 =	vmov s12;
	s12 =	smov.u32 s18  }
0x1e: {  	v4 =	vmul.u32 $0x38, v4;
	_ =	sdelay $0x1  }
0x1f: {  	s20 =	sadd.s32 $0x20, s4;
	[tilespmem:v3+s15+$0x0] =	vst.idx.msk $0xffff, v2;
	v2 =	vbroadcast v4, $0x0  }
0x20: {  	v4 =	vadd.s32 s20, v0;
	v3 =	vld [tilespmem:s6+$0x10]  }
0x21: {  	v2 =	vadd.s32 v1, v2;
	_ =	sdelay $0x3  }
0x22: {  	[tilespmem:v4+s15+$0x0] =	vst.idx.msk $0xffff, v3  }
0x23: {  	s20 =	sadd.s32 $0x30, s4;
	v2 =	vld.idx.msk [tilespmem:v2+s2+$0x0], $0x3  }
0x24: {  	v3 =	vadd.s32 s20, v0;
	_ =	sdelay $0x1  }
.Ltmp0:
0x25: {  	(pc) =	sbr.rel @p0 .LBB2_2-.Ltmp0, $3  }
0x26: {  	_ =	sdelay $0x1  }
0x27: {  	s4 =	sadd.s32 $0x32, s4;
	s6 =	sadd.s32 $0x38, s6;
	[tilespmem:v3+s15+$0x0] =	vst.idx.msk $0x3, v2  }
0x28: {  	s18 =	sadd.s32 $0x1, s18;
	v3 =	vadd.s32 s4, v0;
	v2 =	vld [tilespmem:s6+$0xFFFFFFF0]  }
0x29: {  	_ =	sdelay $0x3  }
0x2a: {  	s18 =	sadd.s32 $0x10, s4;
	[tilespmem:v3+s15+$0x0] =	vst.idx.msk $0xffff, v2  }
0x2b: {  	v3 =	vadd.s32 s18, v0;
	v2 =	vld [tilespmem:s6+$0x0];
	_ =	sdelay $0x1  }
0x2c: {  	v4 =	vmov s12  }
0x2d: {  	v4 =	vmul.u32 $0x38, v4;
	_ =	sdelay $0x1  }
0x2e: {  	s8 =	sadd.s32 $0x20, s4;
	[tilespmem:v3+s15+$0x0] =	vst.idx.msk $0xffff, v2;
	v2 =	vbroadcast v4, $0x0  }
0x2f: {  	v63 =	vadd.s32 s8, v0;
	v3 =	vld [tilespmem:s6+$0x10]  }
0x30: {  	v2 =	vadd.s32 v1, v2;
	_ =	sdelay $0x3  }
0x31: {  	s12 =	sadd.s32 $0x30, s4;
	[tilespmem:v63+s15+$0x0] =	vst.idx.msk $0xffff, v3  }
0x32: {  	v3 =	vadd.s32 s12, v0;
	v2 =	vld.idx.msk [tilespmem:v2+s2+$0x0], $0x3;
	_ =	sdelay $0x4  }
0x33: {  	[tilespmem:v3+s15+$0x0] =	vst.idx.msk $0x3, v2  }
0x34: {  	[tilespmem:s17], [sflag:$0x1] =	stream.indirect.gather [hbm4b:s3+s16], $0x40, s15, s16, $0xb8;
	[tilespmem:$0x15400] =	vst v63  }
0x35: {  	s18 =	simm.s32 $0x7080  }
0x36: {  	[tilespmem:s19], [sflag:$0x2] =	stream.indirect.gather [hbm4b:s3+s16], $0x40, s18, s16, $0xb8;
	[tilespmem:$0x15400] =	vst v63  }
0x37: {  	s20 =	simm.s32 $0x7100  }
0x38: {  	[tilespmem:s21], [sflag:$0x3] =	stream.indirect.gather [hbm4b:s3+s16], $0x40, s20, s16, $0xb8;
	[tilespmem:$0x15400] =	vst v63  }
0x39: {  	_ =	swait.ge [sflag:s22], $0x2000  }
0x3a: {  	[sflag:s22] =	ssyncset.done $0x0  }
0x3b: {  	s23 =	simm.s32 $0x0;
	s5 =	rddreg [dreg:$0x4];
	[sflag:s22] =	ssyncadd.s32 $0xFFFFE000  }
0x3c: {  	[hbm4b:s5+s23] =	stream.linear.scatter [tilespmem:s17], [sflag:$0x5], $0x2000, $0x38;
	[tilespmem:$0x15400] =	vst v63  }
0x3d: {  	s6 =	simm.s32 $0x7180  }
0x3e: {  	[tilespmem:s24], [sflag:$0x4] =	stream.indirect.gather [hbm4b:s3+s16], $0x40, s6, s16, $0xb8;
	[tilespmem:$0x15400] =	vst v63  }
0x3f: {  	_ =	swait.ge [sflag:s25], $0x2000  }
0x40: {  	[sflag:s25] =	ssyncset.done $0x0  }
0x41: {  	s8 =	rddreg [dreg:$0x5];
	[sflag:s25] =	ssyncadd.s32 $0xFFFFE000  }
0x42: {  	[hbm4b:s8+s23] =	stream.linear.scatter [tilespmem:s19], [sflag:$0x6], $0x2000, $0x38;
	[tilespmem:$0x15400] =	vst v63  }
0x43: {  	_ =	swait.ge [sflag:s26], $0x2000  }
0x44: {  	[sflag:s26] =	ssyncset.done $0x0  }
0x45: {  	s12 =	simm.s32 $0x7200;
	[sflag:s26] =	ssyncadd.s32 $0xFFFFE000  }
0x46: {  	[tilespmem:s17], [sflag:$0x1] =	stream.indirect.gather [hbm4b:s3+s16], $0x40, s12, s16, $0xb8;
	[tilespmem:$0x15400] =	vst v63  }
0x47: {  	_ =	swait.ge [sflag:s28], $0x2000  }
0x48: {  	[sflag:s28] =	ssyncset.done $0x0  }
0x49: {  	[sflag:s28] =	ssyncadd.s32 $0xFFFFE000  }
0x4a: {  	[hbm4b:s11+s2] =	stream.linear.scatter [tilespmem:s21], [sflag:$0x7], $0x2000, $0x38;
	[tilespmem:$0x15400] =	vst v63  }
0x4b: {  	_ =	swait.ge [sflag:s29], $0x2000  }
0x4c: {  	[sflag:s29] =	ssyncset.done $0x0  }
0x4d: {  	s18 =	simm.s32 $0x7280;
	[sflag:s29] =	ssyncadd.s32 $0xFFFFE000  }
0x4e: {  	[tilespmem:s19], [sflag:$0x2] =	stream.indirect.gather [hbm4b:s3+s16], $0x40, s18, s16, $0xb8;
	[tilespmem:$0x15400] =	vst v63  }
0x4f: {  	_ =	swait.ge [sflag:s30], $0x2000  }
0x50: {  	[sflag:s30] =	ssyncset.done $0x0  }
0x51: {  	[sflag:s30] =	ssyncadd.s32 $0xFFFFE000  }
0x52: {  	[hbm4b:s10+s2] =	stream.linear.scatter [tilespmem:s24], [sflag:$0x8], $0x2000, $0x38;
	[tilespmem:$0x15400] =	vst v63  }
0x53: {  	_ =	swait.ge [sflag:s31], $0x2000  }
0x54: {  	[sflag:s31] =	ssyncset.done $0x0  }
0x55: {  	s20 =	simm.s32 $0x7300;
	[sflag:s31] =	ssyncadd.s32 $0xFFFFE000  }
0x56: {  	[tilespmem:s21], [sflag:$0x3] =	stream.indirect.gather [hbm4b:s3+s16], $0x40, s20, s16, $0xb8;
	[tilespmem:$0x15400] =	vst v63  }
0x57: {  	_ =	swait.ge [sflag:s22], $0x2000  }
0x58: {  	[sflag:s22] =	ssyncset.done $0x0  }
0x59: {  	[sflag:s22] =	ssyncadd.s32 $0xFFFFE000  }
0x5a: {  	[hbm4b:s13+s2] =	stream.linear.scatter [tilespmem:s17], [sflag:$0x5], $0x2000, $0x38;
	[tilespmem:$0x15400] =	vst v63  }
0x5b: {  	_ =	swait.ge [sflag:s1], $0x2000  }
0x5c: {  	[sflag:s1] =	ssyncset.done $0x0  }
0x5d: {  	s23 =	simm.s32 $0x7380;
	[sflag:s1] =	ssyncadd.s32 $0xFFFFE000  }
0x5e: {  	[tilespmem:s24], [sflag:$0x4] =	stream.indirect.gather [hbm4b:s3+s16], $0x40, s23, s16, $0xb8;
	[tilespmem:$0x15400] =	vst v63  }
0x5f: {  	s4 =	sadd.s32 $0x1000, s10;
	s6 =	sadd.s32 $0x1000, s11;
	_ =	swait.ge [sflag:s25], $0x2000  }
0x60: {  	s12 =	smov.u32 s7;
	s18 =	simm.s32 $0x800;
	[sflag:s25] =	ssyncset.done $0x0  }
0x61: {  	s20 =	sadd.s32 $0x1000, s7;
	s23 =	sadd.s32 $0x1000, s13;
	[sflag:s25] =	ssyncadd.s32 $0xFFFFE000  }
.LBB2_4:
0x62: {  	[hbm4b:s12+s2] =	stream.linear.scatter [tilespmem:s19], [sflag:$0x6], $0x2000, $0x38;
	[tilespmem:$0x15400] =	vst v63  }
0x63: {  	s8 =	smov.u32 s18;
	s12 =	smov.u32 s20  }
0x64: {  	p0 =	sne.s32 s18, $0x18000;
	s18 =	sadd.s32 $0x800, s18;
	_ =	swait.ge [sflag:s26], $0x2000  }
0x65: {  	s8 =	sshra.s32 s8, $0x2;
	[sflag:s26] =	ssyncset.done $0x0  }
0x66: {  	s5 =	sadd.s32 $0x7200, s8;
	[sflag:s26] =	ssyncadd.s32 $0xFFFFE000  }
0x67: {  	[tilespmem:s17], [sflag:$0x1] =	stream.indirect.gather [hbm4b:s3+s16], $0x40, s5, s16, $0xb8;
	[tilespmem:$0x15400] =	vst v63  }
0x68: {  	_ =	swait.ge [sflag:s28], $0x2000  }
0x69: {  	[sflag:s28] =	ssyncset.done $0x0  }
0x6a: {  	[sflag:s28] =	ssyncadd.s32 $0xFFFFE000  }
0x6b: {  	[hbm4b:s6+s2] =	stream.linear.scatter [tilespmem:s21], [sflag:$0x7], $0x2000, $0x38;
	[tilespmem:$0x15400] =	vst v63  }
0x6c: {  	_ =	swait.ge [sflag:s29], $0x2000  }
0x6d: {  	[sflag:s29] =	ssyncset.done $0x0  }
0x6e: {  	s5 =	sadd.s32 $0x7280, s8;
	[sflag:s29] =	ssyncadd.s32 $0xFFFFE000  }
0x6f: {  	[tilespmem:s19], [sflag:$0x2] =	stream.indirect.gather [hbm4b:s3+s16], $0x40, s5, s16, $0xb8;
	[tilespmem:$0x15400] =	vst v63  }
0x70: {  	_ =	swait.ge [sflag:s30], $0x2000  }
0x71: {  	[sflag:s30] =	ssyncset.done $0x0  }
0x72: {  	[sflag:s30] =	ssyncadd.s32 $0xFFFFE000  }
0x73: {  	[hbm4b:s4+s2] =	stream.linear.scatter [tilespmem:s24], [sflag:$0x8], $0x2000, $0x38;
	[tilespmem:$0x15400] =	vst v63  }
0x74: {  	_ =	swait.ge [sflag:s31], $0x2000  }
0x75: {  	[sflag:s31] =	ssyncset.done $0x0  }
0x76: {  	s5 =	sadd.s32 $0x7300, s8;
	[sflag:s31] =	ssyncadd.s32 $0xFFFFE000  }
0x77: {  	[tilespmem:s21], [sflag:$0x3] =	stream.indirect.gather [hbm4b:s3+s16], $0x40, s5, s16, $0xb8;
	[tilespmem:$0x15400] =	vst v63  }
0x78: {  	_ =	swait.ge [sflag:s22], $0x2000  }
0x79: {  	[sflag:s22] =	ssyncset.done $0x0  }
0x7a: {  	[sflag:s22] =	ssyncadd.s32 $0xFFFFE000  }
0x7b: {  	[hbm4b:s23+s2] =	stream.linear.scatter [tilespmem:s17], [sflag:$0x5], $0x2000, $0x38;
	[tilespmem:$0x15400] =	vst v63  }
0x7c: {  	_ =	swait.ge [sflag:s1], $0x2000  }
0x7d: {  	[sflag:s1] =	ssyncset.done $0x0  }
.Ltmp1:
0x7e: {  	s5 =	sadd.s32 $0x7380, s8;
	[sflag:s1] =	ssyncadd.s32 $0xFFFFE000;
	(pc) =	sbr.rel @p0 .LBB2_4-.Ltmp1, $4  }
0x7f: {  	[tilespmem:s24], [sflag:$0x4] =	stream.indirect.gather [hbm4b:s3+s16], $0x40, s5, s16, $0xb8;
	[tilespmem:$0x15400] =	vst v63  }
0x80: {  	_ =	swait.ge [sflag:s25], $0x2000  }
0x81: {  	s20 =	sadd.s32 $0x1000, s20;
	s23 =	sadd.s32 $0x1000, s23;
	[sflag:s25] =	ssyncset.done $0x0  }
0x82: {  	s6 =	sadd.s32 $0x1000, s6;
	s4 =	sadd.s32 $0x1000, s4;
	[sflag:s25] =	ssyncadd.s32 $0xFFFFE000  }
0x83: {  	[hbm4b:s12+s2] =	stream.linear.scatter [tilespmem:s19], [sflag:$0x6], $0x2000, $0x38;
	[tilespmem:$0x15400] =	vst v63  }
0x84: {  	_ =	swait.ge [sflag:s28], $0x2000  }
0x85: {  	[sflag:s28] =	ssyncset.done $0x0  }
0x86: {  	s4 =	rddreg [dreg:$0x6];
	[sflag:s28] =	ssyncadd.s32 $0xFFFFE000  }
0x87: {  	[hbm4b:s4+s2] =	stream.linear.scatter [tilespmem:s21], [sflag:$0x7], $0x2000, $0x38;
	[tilespmem:$0x15400] =	vst v63  }
0x88: {  	_ =	swait.ge [sflag:s30], $0x2000  }
0x89: {  	[sflag:s30] =	ssyncset.done $0x0  }
0x8a: {  	s23 =	rddreg [dreg:$0x7];
	[sflag:s30] =	ssyncadd.s32 $0xFFFFE000  }
0x8b: {  	[hbm4b:s23+s2] =	stream.linear.scatter [tilespmem:s24], [sflag:$0x8], $0x2000, $0x38;
	[tilespmem:$0x15400] =	vst v63  }
0x8c: {  	_ =	swait.ge [sflag:s26], $0x2000  }
0x8d: {  	[sflag:s26] =	ssyncset.done $0x0  }
0x8e: {  	[sflag:s26] =	ssyncadd.s32 $0xFFFFE000  }
0x8f: {  	_ =	swait.ge [sflag:s29], $0x2000  }
0x90: {  	[sflag:s29] =	ssyncset.done $0x0  }
0x91: {  	s0 =	sadd.s32 $0x1, s0;
	[sflag:s29] =	ssyncadd.s32 $0xFFFFE000  }
0x92: {  	p0 =	sne.s32 s0, s9;
	_ =	swait.ge [sflag:s31], $0x2000  }
.Ltmp2:
0x93: {  	[sflag:s31] =	ssyncset.done $0x0;
	(pc) =	sbr.rel @p0 .LBB2_1-.Ltmp2, $4  }
0x94: {  	[sflag:s31] =	ssyncadd.s32 $0xFFFFE000  }
0x95: {  	_ =	swait.ge [sflag:s1], $0x2000  }
0x96: {  	[sflag:s1] =	ssyncset.done $0x0  }
0x97: {  	[sflag:s1] =	ssyncadd.s32 $0xFFFFE000  }
0x98: {  	_ =	sfence.sel $0x180000  }
0x99: {  	[bflag:$0x0] =	sbarrier.arrive $0xFFFF  }
0x9a: {  	_ =	strace $0x90000047  }
0x9b: {  	s0 =	stileid.u32;
	[bflag:$0x2] =	sbarrier.arrive $0xFFFF  }
0x9c: {  	p0 =	sne.s32 s0, $0x0;
	s0 =	rddreg [dreg:$0x2]  }
0x9d: {  	s0 =	sadd.s32 @!p0 $0x100000, s0  }
0x9e: {  	[sflag:s0] =	ssyncadd.tile.s32 @!p0 $0x1;
	_ =	shalt  }
.Lfunc_end2:
_tile_overlayer_lowered:
.L_overlay_start_2:
0x9f: {  	(tag) =	ssettag $0x2  }
0xa0: {  	s0 =	rddreg [dreg:$0x0];
	s2 =	stileid.u32  }
0xa1: {  	s1 =	rddreg [dreg:$0x1];
	p0 =	sne.s32 s2, $0x0  }
0xa2: {  	s3 =	rddreg [dreg:$0x2];
	[bflag:$0x3] =	sbarrier.arrive $0xFFFF;
	s2 =	simm.s32 @!p0 $0x1C09  }
0xa3: {  	[timem:s3], [sflag:s2] =	dma.local @!p0 [hbm:s0], s1  }
0xa4: {  	s0 =	simm.s32 @!p0 $0x9  }
0xa5: {  	_ =	swait.ge @!p0 [sflag:s0], s1  }
0xa6: {  	s1 =	ssub.s32 @!p0 $0x0, s1;
	[sflag:s0] =	ssyncset.done @!p0 $0x0  }
0xa7: {  	[sflag:s0] =	ssyncadd.s32 @!p0 s1  }
0xa8: {  	[bflag:$0x3] =	sbarrier.arrive $0xFFFF  }
0xa9: {  	_ =	shalt  }

// kernel: sparse-core-data-format-call.cloned.1.call-start
scs
called_computation_lowered:
.L_overlay_start_0:
0x0: {  	s2 =	sld [smem:$0x3FD9]  }
0x1: {  	s3 =	sld [smem:$0x3FFE];
	_ =	sdelay $0x1  }
0x2: {  	s1 =	srdreg.scid  }
0x3: {  	s0 =	sand.u32 $0x1, s1  }
0x4: {  	s18 =	sshll.u32 s0, $0xA;
	s2 =	sadd.s32 s3, s2  }
0x5: {  	s2 =	sadd.s32 s2, s18  }
0x6: {  	[smem:$0x3FC6] =	sst s2  }
0x7: {  	_ = 	snop  }
0x8: {  	s2 =	sld [smem:$0x3FD0];
	(tm) =	ssettm $0x1  }
0x9: {  	s19 =	sld [smem:$0x3FFB];
	_ =	sdelay $0x3  }
0xa: {  	_ =	strace s19  }
0xb: {  	s3 =	sld [smem:$0x3FFC];
	_ =	sdelay $0x3  }
0xc: {  	_ =	strace s3  }
0xd: {  	s3 =	sld [smem:$0x3FFD];
	_ =	sdelay $0x3  }
0xe: {  	_ =	strace s3  }
0xf: {  	_ =	strace $0x8FFFFFFF  }
0x10: {  	s20 =	sld [smem:$0x3FDB];
	_ =	sdelay $0x1  }
0x11: {  	s4 =	simm.s32 $_scs_section_size  }
0x12: {  	s5 =	simm.s32 $_size__tile_overlayer_lowered;
	s6 =	simm.s32 $_tile_overlayer_lowered  }
0x13: {  	s23 =	simm.s32 $0x1BFF;
	s22 =	sshll.u32 s6, $0x1;
	s3 =	sadd.s32 s4, s20  }
0x14: {  	s7 =	simm.s32 $0x0;
	s21 =	sshll.u32 s5, $0x1;
	s5 =	sadd.s32 s22, s3  }
0x15: {  	[timem:s7], [sflag:s23] =	dma.local [hbm:s5], s21  }
0x16: {  	_ =	swait.ge [sflag:s23], s21  }
0x17: {  	s4 =	ssub.s32 $0x0, s21;
	[sflag:s23] =	ssyncset.done $0x0  }
0x18: {  	[sflag:s23] =	ssyncadd.s32 s4;
	_ =	sdelay $0x1  }
0x19: {  	s24 =	simm.s32 $0x1B8B  }
0x1a: {  	_ =	swait.ge [sflag:s24], $0x1  }
0x1b: {  	[sflag:s24] =	ssyncset.done $0x0  }
0x1c: {  	s26 =	simm.s32 $0x1B8E;
	s25 =	sld [smem:$0x3FFE];
	[sflag:s24] =	ssyncadd.s32 $0xFFFFFFFF  }
0x1d: {  	s27 =	simm.s32 $execute0_lowered;
	[smem:$0x3FD2] =	sst s26  }
0x1e: {  	s5 =	sshll.u32 s27, $0x1;
	_ =	strace $0x80000049;
	[dreg:$0x1] =	wrdreg $0xFFFFFFFF  }
0x1f: {  	s28 =	simm.s32 $_size_execute0_lowered;
	s3 =	sadd.s32 s3, s5;
	[dreg:$0x0] =	wrdreg $0x0  }
0x20: {  	s5 =	sshll.u32 s28, $0x1;
	[dreg:$0x2] =	wrdreg s3  }
0x21: {  	[dreg:$0x3] =	wrdreg s5  }
0x22: {  	[dreg:$0x4] =	wrdreg $0xC0  }
0x23: {  	_ =	task [dreg:s7], $0x5FFFF  }
0x24: {  	[dreg:$0x1] =	wrdreg $0xFFFFFFFF  }
0x25: {  	[dreg:$0x0] =	wrdreg $0x60  }
0x26: {  	[dreg:$0x2] =	wrdreg s25  }
0x27: {  	[dreg:$0x3] =	wrdreg s2  }
0x28: {  	[dreg:$0x4] =	wrdreg $0x9  }
0x29: {  	_ =	task.clear_ibuf [dreg:s7], $0x5FFFF;
	_ =	strace $0x90000049  }
0x2a: {  	s29 =	simm.s32 $0x9;
	_ =	strace $0x8000004B  }
0x2b: {  	_ =	swait.ge [sflag:s29], $0x1  }
0x2c: {  	[sflag:s29] =	ssyncadd.s32 $0xFFFFFFFF  }
0x2d: {  	_ =	strace $0x9000004B  }
0x2e: {  	_ =	sfence  }
0x2f: {  	s30 =	sld [smem:$0x0];
	_ =	sdelay $0x2  }
0x30: {  	s31 =	sshll.u32 s1, $0xD;
	s1 =	sshrl.u32 s1, $0x2  }
0x31: {  	s3 =	sand.u32 $0x4000, s31;
	s1 =	sadd.s32 s1, s30  }
0x32: {  	s0 =	sor.u32 s3, s0;
	s1 =	sshll.u32 s1, $0x11  }
0x33: {  	s0 =	sor.u32 s1, s0  }
0x34: {  	s0 =	sadd.s32 $0x8F2B, s0  }
0x35: {  	[sflag:s0] =	ssyncadd.remote.s32 $0x1  }
0x36: {  	_ =	sfence.sel $0xFFFF  }
0x37: {  	[dreg:$0x0] =	wrdreg $0xFFFFFFFF;
	(pc) =	sbr.abs _section_cstart, $3  }
0x38: {  	[dreg:$0x1] =	wrdreg $0xFFFFFFFF  }
0x39: {  	_ =	task.clear_ibuf [dreg:s7], $0x2FFFF;
	_ =	strace $0x9FFFFFFF  }
0x3a: {  	(tm) =	ssettm $0x7FFFFFFF  }
0x3b: {  	_ =	shalt  }
tec
execute0_lowered:
.L_overlay_start_1:
0x0: {  	(tag) =	ssettag $0x1  }
0x1: {  	s0 =	srdreg.scid  }
0x2: {  	s1 =	sshll.u32 s0, $0x4  }
0x3: {  	s0 =	stileid.u32;
	s1 =	sand.u32 $0x10, s1  }
0x4: {  	s1 =	sor.u32 s0, s1  }
0x5: {  	s6 =	rddreg [dreg:$0x0];
	s4 =	simm.s32 $0x1;
	s2 =	sshll.u32 s1, $0x7  }
0x6: {  	s7 =	simm.s32 $0x2;
	s12 =	simm.s32 $0x0;
	s1 =	ssub.s32 $0x4000, s2  }
0x7: {  	s8 =	simm.s32 $0x20000;
	s13 =	simm.s32 $0x0;
	s3 =	sand.u32 $0xF80, s1  }
0x8: {  	s9 =	simm.s32 $0x0;
	s5 =	sshrl.u32 s1, $0xC;
	p0 =	sne.s32 s3, $0x0  }
.Ltmp0:
0x9: {  	s1 =	rddreg [dreg:$0x2];
	s4 =	simm.s32 @!p0 $0x0;
	(pc) =	sbr.rel .LBB1_1-.Ltmp0, $4  }
0xa: {  	s11 =	simm.s32 $0x0;
	s3 =	rddreg [dreg:$0x1];
	s5 =	sadd.s32 s4, s5  }
0xb: {  	_ =	strace $0x8000004A;
	s4 =	simm.s32 $0x1;
	s5 =	smul.u32 $0x32, s5  }
0xc: {  	s6 =	sadd.s32 $0xA00, s6;
	s10 =	smov.u32 s2;
	[sflag:s4] =	ssyncpa.u1 $0x0  }
0xd: {  	p0 =	por $0x0, $0x0;
	[sflag:s7] =	ssyncpa.u1 $0x0;
	s7 =	sor.u32 $0x1, s5  }
.LBB1_4:
0xe: {  	s16 =	sshll.u32 s13, $0x3;
	s17 =	sand.u32 $0x78, s13  }
0xf: {  	s30 =	sand.u32 $0x1F800, s13;
	s12 =	sshll.u32 s12, $0x11;
	s16 =	sand.u32 $0x3C00, s16  }
0x10: {  	[tilespmem:s15+$0x810 ss:$0x81] =	vst.msk $0xffff, v2;
	s31 =	sand.u32 $0x7, s13;
	s16 =	sor.u32 s17, s16;
	s17 =	sadd.s32 s3, s30  }
0x11: {  	[tilespmem:s15+$0x1020 ss:$0x81] =	vst.msk $0xffff, v0;
	s13 =	sshll.u32 s31, $0x12;
	s12 =	sadd.s32 s12, s17;
	s16 =	sshrl.u32 s16, $0x3  }
0x12: {  	[tilespmem:s15+$0x0 ss:$0x81] =	vst.msk $0xffff, v1;
	s13 =	sor.u32 $0x400, s13;
	s12 =	sadd.s32 s16, s12  }
0x13: {  	[hbm4b:s12+s13] =	stream.strided.scatter [tilespmem:s14], [sflag:$0x2], $0x2000, s8, s13, $0x20;
	[tilespmem:$0x8080] =	vst v63  }
.LBB1_5:
0x14: {  	s14 =	sadd.s32 $0x1, s9  }
0x15: {  	s12 =	sadd.s32 $0x1000, s10;
	s16 =	smov.u32 s10;
	p2 =	sgt.s32 s14, $0x31  }
0x16: {  	s16 =	smov.u32 @p2 s12  }
0x17: {  	s14 =	simm.s32 @p2 $0x0;
	p2 =	sgt.s32 s16, $0x3FFF  }
0x18: {  	s16 =	smov.u32 @p2 s2;
	p2 =	sne.s32 s11, s7  }
.Ltmp1:
0x19: {  	p1 =	slt.u32 s11, $0x2;
	(pc) =	sbr.rel @!p2 .LBB1_6-.Ltmp1, $4  }
0x1a: {  	s15 =	simm.s32 @!p1 $0x2  }
0x1b: {  	s13 =	smov.u32 s10;
	p0 =	por !p0, !p0;
	_ =	swait.ge @!p1 [sflag:s15], $0x2000  }
0x1c: {  	s12 =	smov.u32 s9;
	[sflag:s15] =	ssyncset.done @!p1 $0x0;
	s9 =	smov.u32 s14  }
0x1d: {  	s11 =	sadd.s32 $0x1, s11;
	[sflag:s15] =	ssyncadd.s32 @!p1 $0xFFFFE000;
	s10 =	smov.u32 s16  }
.LBB1_1:
0x1e: {  	p1 =	sge.u32 s11, s5  }
0x1f: {  	s14 =	sand.u32 @!p1 $0x1FFFFFF, s9  }
0x20: {  	s15 =	smulhi.u32 @!p1 $0x4924925, s14;
	_ =	sdelay $0x1  }
0x21: {  	s15 =	smul.u32 @!p1 $0x38, s15  }
0x22: {  	s16 =	sxor.u32 @!p1 $0xFFFFFFFF, s11;
	s17 =	smul.u32 @!p1 $0x380, s10  }
0x23: {  	s31 =	sadd.s32 $0xFFFFFFFF, s11;
	s16 =	sshll.u32 @!p1 s16, $0xD;
	s14 =	ssub.s32 @!p1 s14, s15  }
0x24: {  	s15 =	sand.u32 @!p1 $0x2000, s16;
	s16 =	sadd.s32 @!p1 s6, s17;
	s14 =	sshll.u32 @!p1 s14, $0x4  }
0x25: {  	s17 =	simm.s32 @!p1 $0x1C00;
	s14 =	sadd.s32 @!p1 s14, s16;
	s16 =	simm.s32 @!p1 $0x40  }
0x26: {  	[tilespmem:s15], [sflag:$0x1] =	stream.strided.gather @!p1 [hbm4b:s14+s16], $0x2000, s17, s16, $0x38;
	[tilespmem:$0x8080] =	vst v63  }
0x27: {  	p1 =	sge.u32 s31, s5  }
.Ltmp2:
0x28: {  	_ = 	snop;
	(pc) =	sbr.rel @p1 .LBB1_5-.Ltmp2, $1  }
0x29: {  	_ =	sdelay $0x3  }
0x2a: {  	s14 =	simm.s32 $0x1  }
0x2b: {  	_ =	swait.ge [sflag:s4], $0x2000;
	s14 =	simm.s32 @!p0 $0x0  }
0x2c: {  	[sflag:s4] =	ssyncset.done $0x0;
	s15 =	sshll.u32 s14, $0xD  }
0x2d: {  	[sflag:s4] =	ssyncadd.s32 $0xFFFFE000;
	s18 =	sor.u32 $0x20, s15  }
0x2e: {  	s14 =	smul.u32 $0x8100, s14;
	v3 =	vld [tilespmem:s18+$0x10]  }
0x2f: {  	s30 =	sand.u32 $0x1, s11;
	v2 =	vld [tilespmem:s18+$0xFFFFFFF0]  }
0x30: {  	s15 =	smul.u32 $0x8100, s30;
	s14 =	sshrl.u32 s14, $0x2;
	v0 =	vld [tilespmem:s18+$0x0]  }
0x31: {  	v1 =	vld [tilespmem:s18+$0xFFFFFFE0];
	s16 =	sor.u32 $0x4000, s14  }
0x32: {  	s31 =	sshrl.u32 s15, $0x2;
	s15 =	sadd.s32 $0x0, s16  }
0x33: {  	s17 =	simm.s32 $0x4;
	s18 =	sadd.s32 $0x40, s18;
	s14 =	sor.u32 $0x4000, s31;
	[tilespmem:s15+$0x1830 ss:$0x81] =	vst.msk $0xffff, v3  }
.LBB1_3:
0x34: {  	v3 =	vld [tilespmem:s18+$0x10];
	p1 =	sne.s32 s17, $0x1FC;
	[tilespmem:s15+$0x810 ss:$0x81] =	vst.msk $0xffff, v2;
	s19 =	smov.u32 s17;
	s17 =	sadd.s32 $0x4, s17  }
.Ltmp3:
0x35: {  	v2 =	vld [tilespmem:s18+$0xFFFFFFF0];
	[tilespmem:s15+$0x1020 ss:$0x81] =	vst.msk $0xffff, v0;
	(pc) =	sbr.rel @p1 .LBB1_3-.Ltmp3, $4  }
0x36: {  	v0 =	vld [tilespmem:s18+$0x0];
	[tilespmem:s15+$0x0 ss:$0x81] =	vst.msk $0xffff, v1  }
0x37: {  	s15 =	sshra.s32 s19, $0x2;
	v1 =	vld [tilespmem:s18+$0xFFFFFFE0]  }
0x38: {  	s15 =	sadd.s32 s15, s16  }
0x39: {  	s18 =	sadd.s32 $0x40, s18;
	[tilespmem:s15+$0x1830 ss:$0x81] =	vst.msk $0xffff, v3  }
.Ltmp4:
0x3a: {  	_ = 	snop;
	(pc) =	sbr.rel .LBB1_4-.Ltmp4, $1  }
0x3b: {  	_ =	sdelay $0x3  }
.LBB1_6:
0x3c: {  	_ =	sfence.sel $0x180000  }
0x3d: {  	s2 =	simm.s32 $0x1;
	[bflag:$0x0] =	sbarrier.arrive $0xFFFF  }
0x3e: {  	s31 =	simm.s32 $0x2;
	[sflag:s2] =	ssyncpa.u1 $0x1  }
0x3f: {  	[sflag:s31] =	ssyncpa.u1 $0x1  }
0x40: {  	p0 =	sne.s32 s0, $0x0;
	_ =	strace $0x9000004A  }
0x41: {  	s0 =	sadd.s32 @!p0 $0x100000, s1;
	[bflag:$0x2] =	sbarrier.arrive $0xFFFF  }
0x42: {  	[sflag:s0] =	ssyncadd.tile.s32 @!p0 $0x1;
	_ =	shalt  }
.Lfunc_end1:
_tile_overlayer_lowered:
.L_overlay_start_2:
0x43: {  	(tag) =	ssettag $0x2  }
0x44: {  	s0 =	rddreg [dreg:$0x0];
	s2 =	stileid.u32  }
0x45: {  	s1 =	rddreg [dreg:$0x1];
	p0 =	sne.s32 s2, $0x0  }
0x46: {  	s3 =	rddreg [dreg:$0x2];
	[bflag:$0x3] =	sbarrier.arrive $0xFFFF;
	s2 =	simm.s32 @!p0 $0x1C01  }
0x47: {  	[timem:s3], [sflag:s2] =	dma.local @!p0 [hbm:s0], s1  }
0x48: {  	s0 =	simm.s32 @!p0 $0x1  }
0x49: {  	_ =	swait.ge @!p0 [sflag:s0], s1  }
0x4a: {  	s1 =	ssub.s32 @!p0 $0x0, s1;
	[sflag:s0] =	ssyncset.done @!p0 $0x0  }
0x4b: {  	[sflag:s0] =	ssyncadd.s32 @!p0 s1  }
0x4c: {  	[bflag:$0x3] =	sbarrier.arrive $0xFFFF  }
0x4d: {  	_ =	shalt  }

</sc_bundles>
